<compile_context>
chip_gen: v7x
topology: tpu7x:2x2x1
jax: 0.10.2.dev20260603
libtpu: 0.0.44.dev20260713+nightly
codegen_flags: <defaults>
</compile_context>

<pallas_src>
import functools

import jax
import jax.numpy as jnp
from jax import lax
from jax.experimental import pallas as pl
from jax.experimental.pallas import tpu as pltpu
from jax.experimental.pallas import tpu_sc as plsc

N = 10000
NP = 10240
E = 320000
D = 128
NC = 2
NS = 16
NW = NC * NS
EPW = E // NW
C = 80
NCH = EPW // C
RPS = NP // NS
ZR = 128



HN = NP // 2


def _sc_degree_body(src_hbm, dst_hbm, hist_hbm, hbuf, idx_buf):
    c = lax.axis_index("c")
    s = lax.axis_index("s")
    wid = c * NS + s
    zeros16 = jnp.zeros((16,), jnp.float32)
    ones16 = jnp.ones((16,), jnp.float32)
    lanes = lax.iota(jnp.int32, 16)
    for t, ref in ((0, src_hbm), (1, dst_hbm)):
        pltpu.sync_copy(ref.at[pl.ds(wid * EPW, EPW)], idx_buf)
        for half in range(2):
            base = half * HN

            @pl.loop(0, HN, unroll=8)
            def _z(i):
                hbuf[pl.ds(i * 16, 16)] = zeros16

            @pl.loop(0, EPW // 16, unroll=4)
            def _h(i):
                v = idx_buf[pl.ds(i * 16, 16)]
                rel = v - base
                m = (rel >= 0) & (rel < HN)
                addr = rel + lanes * HN
                plsc.addupdate_scatter(hbuf, [addr], ones16, mask=m)

            off = (wid * 4 + t * 2 + half) * (HN * 16)
            pltpu.sync_copy(hbuf, hist_hbm.at[pl.ds(off, HN * 16)])


@functools.cache
def _build_sc_degrees():
  return pl.kernel(
    _sc_degree_body,
    out_type=jax.ShapeDtypeStruct((NW * 4 * HN * 16,), jnp.float32),
    mesh=plsc.VectorSubcoreMesh(core_axis_name="c", subcore_axis_name="s"),
    compiler_params=pltpu.CompilerParams(needs_layout_passes=False),
    scratch_types=[
        pltpu.VMEM((HN * 16,), jnp.float32),
        pltpu.VMEM((EPW,), jnp.int32),
    ],
  )


def _sc_scatter_body(g_hbm, src_hbm, dst_hbm, out_hbm,
                     acc, src_v, dst_v, rows_v, zbuf, sem):
    c = lax.axis_index("c")
    s = lax.axis_index("s")
    wid = c * NS + s
    zeros16 = jnp.zeros((16,), jnp.float32)

    @pl.loop(0, ZR)
    def _zb(i):
        for j in range(D // 16):
            zbuf[i, pl.ds(j * 16, 16)] = zeros16

    @pl.loop(0, RPS // ZR)
    def _za(k):
        pltpu.sync_copy(zbuf, acc.at[pl.ds(s * RPS + k * ZR, ZR)])

    plsc.subcore_barrier()

    @pl.loop(0, NCH)
    def _edges(i):
        e0 = wid * EPW + i * C
        pltpu.sync_copy(src_hbm.at[pl.ds(e0, C)], src_v)
        pltpu.sync_copy(dst_hbm.at[pl.ds(e0, C)], dst_v)
        pltpu.async_copy(g_hbm.at[src_v], rows_v, sem).wait()
        pltpu.sync_copy(rows_v, acc.at[dst_v], add=True)

    plsc.subcore_barrier()

    @pl.loop(0, RPS // ZR)
    def _wb(k):
        r0 = s * RPS + k * ZR
        pltpu.sync_copy(acc.at[pl.ds(r0, ZR)], out_hbm.at[c, pl.ds(r0, ZR)])


@functools.cache
def _build_sc_scatter():
  return pl.kernel(
    _sc_scatter_body,
    out_type=jax.ShapeDtypeStruct((NC, NP, D), jnp.float32),
    mesh=plsc.VectorSubcoreMesh(core_axis_name="c", subcore_axis_name="s"),
    compiler_params=pltpu.CompilerParams(needs_layout_passes=False),
    scratch_types=[
        pltpu.VMEM_SHARED((NP, D), jnp.float32),
        pltpu.VMEM((C,), jnp.int32),
        pltpu.VMEM((C,), jnp.int32),
        pltpu.VMEM((C, D), jnp.float32),
        pltpu.VMEM((ZR, D), jnp.float32),
        pltpu.SemaphoreType.DMA,
    ],
  )


_BM = 1000


def _tc0_body(hist_ref, deg_ref):
    deg_ref[...] = jnp.sum(hist_ref[...], axis=(0, 2))


def _tc0(hist4):
    return pl.pallas_call(
        _tc0_body,
        grid=(HN // 640,),
        in_specs=[pl.BlockSpec((NW, 4, 16, 640), lambda i: (0, 0, 0, i))],
        out_specs=pl.BlockSpec((4, 640), lambda i: (0, i)),
        out_shape=jax.ShapeDtypeStruct((4, HN), jnp.float32),
    )(hist4)


def _tc1_body(feats_ref, w_ref, degO_ref, degI_ref, g_ref, nO_ref, nI_ref):
    nO = lax.rsqrt(jnp.maximum(degO_ref[...], 1.0))
    nI = lax.rsqrt(jnp.maximum(degI_ref[...], 1.0))
    x = feats_ref[...] * nO
    g_ref[...] = jnp.dot(x, w_ref[...], preferred_element_type=jnp.float32)
    nO_ref[...] = nO
    nI_ref[...] = nI


def _tc1(feats, W1, degO, degI):
    return pl.pallas_call(
        _tc1_body,
        grid=(N // _BM,),
        in_specs=[
            pl.BlockSpec((_BM, D), lambda i: (i, 0)),
            pl.BlockSpec((D, D), lambda i: (0, 0)),
            pl.BlockSpec((_BM, 1), lambda i: (i, 0)),
            pl.BlockSpec((_BM, 1), lambda i: (i, 0)),
        ],
        out_specs=[
            pl.BlockSpec((_BM, D), lambda i: (i, 0)),
            pl.BlockSpec((_BM, 1), lambda i: (i, 0)),
            pl.BlockSpec((_BM, 1), lambda i: (i, 0)),
        ],
        out_shape=[jax.ShapeDtypeStruct((N, D), jnp.float32),
                   jax.ShapeDtypeStruct((N, 1), jnp.float32),
                   jax.ShapeDtypeStruct((N, 1), jnp.float32)],
    )(feats, W1, degO, degI)


def _tc2_body(agg_ref, nI_ref, b_ref, w_ref, nO_ref, g_ref):
    a = agg_ref[0] + agg_ref[1]
    h = jnp.maximum(a * nI_ref[...] + b_ref[...], 0.0)
    g_ref[...] = jnp.dot(h * nO_ref[...], w_ref[...],
                         preferred_element_type=jnp.float32)


def _tc2(agg, nI, b1, W2, nO):
    return pl.pallas_call(
        _tc2_body,
        grid=(N // _BM,),
        in_specs=[
            pl.BlockSpec((NC, _BM, D), lambda i: (0, i, 0)),
            pl.BlockSpec((_BM, 1), lambda i: (i, 0)),
            pl.BlockSpec((1, D), lambda i: (0, 0)),
            pl.BlockSpec((D, D), lambda i: (0, 0)),
            pl.BlockSpec((_BM, 1), lambda i: (i, 0)),
        ],
        out_specs=pl.BlockSpec((_BM, D), lambda i: (i, 0)),
        out_shape=jax.ShapeDtypeStruct((N, D), jnp.float32),
    )(agg, nI, b1, W2, nO)


def _tc3_body(agg_ref, nI_ref, b_ref, out_ref):
    a = agg_ref[0] + agg_ref[1]
    out_ref[...] = jnp.maximum(a * nI_ref[...] + b_ref[...], 0.0)


def _tc3(agg, nI, b2):
    return pl.pallas_call(
        _tc3_body,
        grid=(N // _BM,),
        in_specs=[
            pl.BlockSpec((NC, _BM, D), lambda i: (0, i, 0)),
            pl.BlockSpec((_BM, 1), lambda i: (i, 0)),
            pl.BlockSpec((1, D), lambda i: (0, 0)),
        ],
        out_specs=pl.BlockSpec((_BM, D), lambda i: (i, 0)),
        out_shape=jax.ShapeDtypeStruct((N, D), jnp.float32),
    )(agg, nI, b2)


def kernel(feats, edge_index, W1, b1, W2, b2):
    src = edge_index[0].astype(jnp.int32)
    dst = edge_index[1].astype(jnp.int32)
    feats = feats.astype(jnp.float32)
    hist = _build_sc_degrees()(src, dst)
    deg4 = _tc0(hist.reshape(NW, 4, 16, HN))
    degO = deg4[0:2].reshape(NP, 1)
    degI = deg4[2:4].reshape(NP, 1)
    g1, nO, nI = _tc1(feats, W1, degO[:N], degI[:N])
    agg1 = _build_sc_scatter()(g1, src, dst)
    g2 = _tc2(agg1, nI, b1.reshape(1, D), W2, nO)
    agg2 = _build_sc_scatter()(g2, src, dst)
    return _tc3(agg2, nI, b2.reshape(1, D))

# --- scband reference (transcript-rebuilt; emitter-appended) ---
"""Pipeline reference for scband-gcn-77120432767004 (READ-ONLY COPY).

The authoritative reference and input builder live on the scoring server;
editing this copy changes nothing except your own understanding.
"""

import jax, jax.numpy as jnp
import numpy as np

N_NODES = 10000
N_EDGES = 320000
D_FEAT = 128
HIDDEN_DIMS = [128, 128]


def _graph_conv(feats, src, dst, W, b, n_nodes):
    # DGL GraphConv with norm='both':
    # h' = D_in^{-1/2} * A * (D_out^{-1/2} * h) @ W + b
    deg_out = jnp.bincount(src, length=n_nodes).astype(jnp.float32)
    deg_in = jnp.bincount(dst, length=n_nodes).astype(jnp.float32)
    norm_src = jax.lax.rsqrt(jnp.clip(deg_out, 1.0, None))
    norm_dst = jax.lax.rsqrt(jnp.clip(deg_in, 1.0, None))
    h = feats * norm_src[:, None]
    msgs = jnp.take(h, src, axis=0)
    agg = jax.ops.segment_sum(msgs, dst, num_segments=n_nodes)
    agg = agg * norm_dst[:, None]
    return agg @ W + b


def setup_inputs(seed: int = 0) -> dict:
    key = jax.random.key(seed)
    k1, k2, k3, k4 = jax.random.split(key, 4)
    feats = jax.random.normal(k1, (N_NODES, D_FEAT), dtype=jnp.float32)
    edge_index = jax.random.randint(k2, (2, N_EDGES), 0, N_NODES, dtype=jnp.int64 if jax.config.read('jax_enable_x64') else jnp.int32)
    W1 = jax.random.normal(k3, (D_FEAT, HIDDEN_DIMS[0]), dtype=jnp.float32) * 0.05
    b1 = jnp.zeros((HIDDEN_DIMS[0],), dtype=jnp.float32)
    W2 = jax.random.normal(k4, (HIDDEN_DIMS[0], HIDDEN_DIMS[1]), dtype=jnp.float32) * 0.05
    b2 = jnp.zeros((HIDDEN_DIMS[1],), dtype=jnp.float32)
    return {"feats": feats, "edge_index": edge_index, "W1": W1, "b1": b1, "W2": W2, "b2": b2}


def reference(feats, edge_index, W1, b1, W2, b2):
    src = edge_index[0]
    dst = edge_index[1]
    h = feats.astype(jnp.float32)
    h = jax.nn.relu(_graph_conv(h, src, dst, W1, b1, N_NODES))
    h = jax.nn.relu(_graph_conv(h, src, dst, W2, b2, N_NODES))
    return h

if __name__ == "__main__":
    import jax
    _d = setup_inputs()
    print(jax.jit(kernel)(*tuple(_d.values())))

</pallas_src>

<mosaic_0001>
#map = affine_map<(d0, d1) -> (0)>
module attributes {stable_mosaic.version = 14 : i64} {
  func.func @_sc_degree_body(%arg0: i32, %arg1: i32, %arg2: memref<320000xi32, #tpu.memory_space<hbm>>, %arg3: memref<320000xi32, #tpu.memory_space<hbm>>, %arg4: memref<10485760xf32, #tpu.memory_space<hbm>>, %arg5: memref<81920xf32, #tpu.memory_space<vmem>>, %arg6: memref<10000xi32, #tpu.memory_space<vmem>>) attributes {dimension_semantics = [#tpu.dimension_semantics<core_parallel>, #tpu.dimension_semantics<subcore_parallel>], iteration_bounds = array<i64: 2, 16>, scalar_prefetch = 0 : i64, scratch_operands = 2 : i64, tpu.core_type = #tpu.core_type<sc_vector_subcore>, window_params = [{transform_indices = #map}, {transform_indices = #map}, {transform_indices = #map}]} {
    %mul3A = arith.constant 16 : i32
    %mul3A_0 = arith.muli %arg0, %mul3A : i32
    %add3A = arith.addi %mul3A_0, %arg1 : i32
    %broadcast_in_dim3A = arith.constant 0.000000e+00 : f32
    %broadcast_in_dim3A_1 = vector.broadcast %broadcast_in_dim3A : f32 to vector<16xf32>
    %broadcast_in_dim3A_2 = arith.constant 1.000000e+00 : f32
    %broadcast_in_dim3A_3 = vector.broadcast %broadcast_in_dim3A_2 : f32 to vector<16xf32>
    %iota3A = tpu.iota {dimensions = array<i32: 0>} : vector<16xi32>
    %mul3A_4 = arith.constant 10000 : i32
    %mul3A_5 = arith.muli %add3A, %mul3A_4 : i32
    "tpu.region"() ({
      %run_scoped3A = tpu.sem_alloc : memref<!tpu.dma_semaphore, #tpu.memory_space<semaphore_mem>>
      %dma_start3A = tpu.memref_slice %arg2[%mul3A_5] : memref<320000xi32, #tpu.memory_space<hbm>> -> memref<10000xi32, #tpu.memory_space<hbm>>
      %dma_start3A_170 = tpu.memref_slice %arg2[%mul3A_5] : memref<320000xi32, #tpu.memory_space<hbm>> -> memref<10000xi32, #tpu.memory_space<hbm>>
      tpu.enqueue_dma source(%dma_start3A_170 : memref<10000xi32, #tpu.memory_space<hbm>>) target(%arg6 : memref<10000xi32, #tpu.memory_space<vmem>>) target_semaphore(%run_scoped3A : memref<!tpu.dma_semaphore, #tpu.memory_space<semaphore_mem>>)
      %dma_wait3A = tpu.memref_slice %arg2[%mul3A_5] : memref<320000xi32, #tpu.memory_space<hbm>> -> memref<10000xi32, #tpu.memory_space<hbm>>
      %dma_wait3A_171 = tpu.memref_slice %arg2[%mul3A_5] : memref<320000xi32, #tpu.memory_space<hbm>> -> memref<10000xi32, #tpu.memory_space<hbm>>
      tpu.wait_dma2 semaphore(%run_scoped3A : memref<!tpu.dma_semaphore, #tpu.memory_space<semaphore_mem>>) src(%dma_wait3A_171 : memref<10000xi32, #tpu.memory_space<hbm>>) dst(%arg6 : memref<10000xi32, #tpu.memory_space<vmem>>)
      tpu.yield
    }) : () -> ()
    %scan3A = arith.constant 0 : i32
    %scan3A_6 = arith.constant 5120 : i32
    %scan3A_7 = arith.addi %scan3A, %scan3A_6 : i32
    %scan3A_8 = arith.constant 8 : i32
    scf.for %scan3A_170 = %scan3A to %scan3A_7 step %scan3A_8  : i32 {
      %mul3A_171 = arith.constant 1 : i32
      %mul3A_172 = arith.muli %scan3A_170, %mul3A_171 : i32
      %add3A_173 = arith.constant 0 : i32
      %add3A_174 = arith.addi %add3A_173, %mul3A_172 : i32
      %mul3A_175 = arith.constant 16 : i32
      %mul3A_176 = arith.muli %add3A_174, %mul3A_175 : i32
      %swap3A = arith.index_cast %mul3A_176 : i32 to index
      %swap3A_177 = tpu.vector_load %arg5[%swap3A] {strides = array<i32>} : memref<81920xf32, #tpu.memory_space<vmem>>, vector<16xf32>,
      tpu.vector_store %arg5[%swap3A], %broadcast_in_dim3A_1 {strides = array<i32>} : memref<81920xf32, #tpu.memory_space<vmem>>, vector<16xf32>,
      %scan3A_178 = arith.constant 1 : i32
      %scan3A_179 = arith.addi %scan3A_170, %scan3A_178 : i32
      %mul3A_180 = arith.constant 1 : i32
      %mul3A_181 = arith.muli %scan3A_179, %mul3A_180 : i32
      %add3A_182 = arith.constant 0 : i32
      %add3A_183 = arith.addi %add3A_182, %mul3A_181 : i32
      %mul3A_184 = arith.constant 16 : i32
      %mul3A_185 = arith.muli %add3A_183, %mul3A_184 : i32
      %swap3A_186 = arith.index_cast %mul3A_185 : i32 to index
      %swap3A_187 = tpu.vector_load %arg5[%swap3A_186] {strides = array<i32>} : memref<81920xf32, #tpu.memory_space<vmem>>, vector<16xf32>,
      tpu.vector_store %arg5[%swap3A_186], %broadcast_in_dim3A_1 {strides = array<i32>} : memref<81920xf32, #tpu.memory_space<vmem>>, vector<16xf32>,
      %scan3A_188 = arith.constant 2 : i32
      %scan3A_189 = arith.addi %scan3A_170, %scan3A_188 : i32
      %mul3A_190 = arith.constant 1 : i32
      %mul3A_191 = arith.muli %scan3A_189, %mul3A_190 : i32
      %add3A_192 = arith.constant 0 : i32
      %add3A_193 = arith.addi %add3A_192, %mul3A_191 : i32
      %mul3A_194 = arith.constant 16 : i32
      %mul3A_195 = arith.muli %add3A_193, %mul3A_194 : i32
      %swap3A_196 = arith.index_cast %mul3A_195 : i32 to index
      %swap3A_197 = tpu.vector_load %arg5[%swap3A_196] {strides = array<i32>} : memref<81920xf32, #tpu.memory_space<vmem>>, vector<16xf32>,
      tpu.vector_store %arg5[%swap3A_196], %broadcast_in_dim3A_1 {strides = array<i32>} : memref<81920xf32, #tpu.memory_space<vmem>>, vector<16xf32>,
      %scan3A_198 = arith.constant 3 : i32
      %scan3A_199 = arith.addi %scan3A_170, %scan3A_198 : i32
      %mul3A_200 = arith.constant 1 : i32
      %mul3A_201 = arith.muli %scan3A_199, %mul3A_200 : i32
      %add3A_202 = arith.constant 0 : i32
      %add3A_203 = arith.addi %add3A_202, %mul3A_201 : i32
      %mul3A_204 = arith.constant 16 : i32
      %mul3A_205 = arith.muli %add3A_203, %mul3A_204 : i32
      %swap3A_206 = arith.index_cast %mul3A_205 : i32 to index
      %swap3A_207 = tpu.vector_load %arg5[%swap3A_206] {strides = array<i32>} : memref<81920xf32, #tpu.memory_space<vmem>>, vector<16xf32>,
      tpu.vector_store %arg5[%swap3A_206], %broadcast_in_dim3A_1 {strides = array<i32>} : memref<81920xf32, #tpu.memory_space<vmem>>, vector<16xf32>,
      %scan3A_208 = arith.constant 4 : i32
      %scan3A_209 = arith.addi %scan3A_170, %scan3A_208 : i32
      %mul3A_210 = arith.constant 1 : i32
      %mul3A_211 = arith.muli %scan3A_209, %mul3A_210 : i32
      %add3A_212 = arith.constant 0 : i32
      %add3A_213 = arith.addi %add3A_212, %mul3A_211 : i32
      %mul3A_214 = arith.constant 16 : i32
      %mul3A_215 = arith.muli %add3A_213, %mul3A_214 : i32
      %swap3A_216 = arith.index_cast %mul3A_215 : i32 to index
      %swap3A_217 = tpu.vector_load %arg5[%swap3A_216] {strides = array<i32>} : memref<81920xf32, #tpu.memory_space<vmem>>, vector<16xf32>,
      tpu.vector_store %arg5[%swap3A_216], %broadcast_in_dim3A_1 {strides = array<i32>} : memref<81920xf32, #tpu.memory_space<vmem>>, vector<16xf32>,
      %scan3A_218 = arith.constant 5 : i32
      %scan3A_219 = arith.addi %scan3A_170, %scan3A_218 : i32
      %mul3A_220 = arith.constant 1 : i32
      %mul3A_221 = arith.muli %scan3A_219, %mul3A_220 : i32
      %add3A_222 = arith.constant 0 : i32
      %add3A_223 = arith.addi %add3A_222, %mul3A_221 : i32
      %mul3A_224 = arith.constant 16 : i32
      %mul3A_225 = arith.muli %add3A_223, %mul3A_224 : i32
      %swap3A_226 = arith.index_cast %mul3A_225 : i32 to index
      %swap3A_227 = tpu.vector_load %arg5[%swap3A_226] {strides = array<i32>} : memref<81920xf32, #tpu.memory_space<vmem>>, vector<16xf32>,
      tpu.vector_store %arg5[%swap3A_226], %broadcast_in_dim3A_1 {strides = array<i32>} : memref<81920xf32, #tpu.memory_space<vmem>>, vector<16xf32>,
      %scan3A_228 = arith.constant 6 : i32
      %scan3A_229 = arith.addi %scan3A_170, %scan3A_228 : i32
      %mul3A_230 = arith.constant 1 : i32
      %mul3A_231 = arith.muli %scan3A_229, %mul3A_230 : i32
      %add3A_232 = arith.constant 0 : i32
      %add3A_233 = arith.addi %add3A_232, %mul3A_231 : i32
      %mul3A_234 = arith.constant 16 : i32
      %mul3A_235 = arith.muli %add3A_233, %mul3A_234 : i32
      %swap3A_236 = arith.index_cast %mul3A_235 : i32 to index
      %swap3A_237 = tpu.vector_load %arg5[%swap3A_236] {strides = array<i32>} : memref<81920xf32, #tpu.memory_space<vmem>>, vector<16xf32>,
      tpu.vector_store %arg5[%swap3A_236], %broadcast_in_dim3A_1 {strides = array<i32>} : memref<81920xf32, #tpu.memory_space<vmem>>, vector<16xf32>,
      %scan3A_238 = arith.constant 7 : i32
      %scan3A_239 = arith.addi %scan3A_170, %scan3A_238 : i32
      %mul3A_240 = arith.constant 1 : i32
      %mul3A_241 = arith.muli %scan3A_239, %mul3A_240 : i32
      %add3A_242 = arith.constant 0 : i32
      %add3A_243 = arith.addi %add3A_242, %mul3A_241 : i32
      %mul3A_244 = arith.constant 16 : i32
      %mul3A_245 = arith.muli %add3A_243, %mul3A_244 : i32
      %swap3A_246 = arith.index_cast %mul3A_245 : i32 to index
      %swap3A_247 = tpu.vector_load %arg5[%swap3A_246] {strides = array<i32>} : memref<81920xf32, #tpu.memory_space<vmem>>, vector<16xf32>,
      tpu.vector_store %arg5[%swap3A_246], %broadcast_in_dim3A_1 {strides = array<i32>} : memref<81920xf32, #tpu.memory_space<vmem>>, vector<16xf32>,
    }
    %scan3A_9 = arith.constant 5120 : i32
    %scan3A_10 = arith.constant 0 : i32
    %scan3A_11 = arith.constant 624 : i32
    %scan3A_12 = arith.addi %scan3A_10, %scan3A_11 : i32
    %scan3A_13 = arith.constant 4 : i32
    scf.for %scan3A_170 = %scan3A_10 to %scan3A_12 step %scan3A_13  : i32 {
      %mul3A_171 = arith.constant 1 : i32
      %mul3A_172 = arith.muli %scan3A_170, %mul3A_171 : i32
      %add3A_173 = arith.constant 0 : i32
      %add3A_174 = arith.addi %add3A_173, %mul3A_172 : i32
      %mul3A_175 = arith.constant 16 : i32
      %mul3A_176 = arith.muli %add3A_174, %mul3A_175 : i32
      %get3A_177 = arith.index_cast %mul3A_176 : i32 to index
      %get3A_178 = tpu.vector_load %arg6[%get3A_177] {strides = array<i32>} : memref<10000xi32, #tpu.memory_space<vmem>>, vector<16xi32>,
      %sub3A_179 = arith.constant 0 : i32
      %sub3A_180 = vector.broadcast %sub3A_179 : i32 to vector<16xi32>
      %sub3A_181 = arith.subi %get3A_178, %sub3A_180 : vector<16xi32>
      %ge3A_182 = arith.constant 0 : i32
      %ge3A_183 = vector.broadcast %ge3A_182 : i32 to vector<16xi32>
      %ge3A_184 = arith.cmpi sge, %sub3A_181, %ge3A_183 : vector<16xi32>
      %lt3A_185 = arith.constant 5120 : i32
      %lt3A_186 = vector.broadcast %lt3A_185 : i32 to vector<16xi32>
      %lt3A_187 = arith.cmpi slt, %sub3A_181, %lt3A_186 : vector<16xi32>
      %and3A_188 = arith.andi %ge3A_184, %lt3A_187 : vector<16xi1>
      %mul3A_189 = arith.constant 5120 : i32
      %mul3A_190 = vector.broadcast %mul3A_189 : i32 to vector<16xi32>
      %mul3A_191 = arith.muli %iota3A, %mul3A_190 : vector<16xi32>
      %add3A_192 = arith.addi %sub3A_181, %mul3A_191 : vector<16xi32>
      tpu.vector_store_idx %arg5[%add3A_192], %broadcast_in_dim3A_3 masked %and3A_188 {add = true} : memref<81920xf32, #tpu.memory_space<vmem>>[vector<16xi32>], vector<16xf32>, vector<16xi1>
      %scan3A_193 = arith.constant 1 : i32
      %scan3A_194 = arith.addi %scan3A_170, %scan3A_193 : i32
      %mul3A_195 = arith.constant 1 : i32
      %mul3A_196 = arith.muli %scan3A_194, %mul3A_195 : i32
      %add3A_197 = arith.constant 0 : i32
      %add3A_198 = arith.addi %add3A_197, %mul3A_196 : i32
      %mul3A_199 = arith.constant 16 : i32
      %mul3A_200 = arith.muli %add3A_198, %mul3A_199 : i32
      %get3A_201 = arith.index_cast %mul3A_200 : i32 to index
      %get3A_202 = tpu.vector_load %arg6[%get3A_201] {strides = array<i32>} : memref<10000xi32, #tpu.memory_space<vmem>>, vector<16xi32>,
      %sub3A_203 = arith.constant 0 : i32
      %sub3A_204 = vector.broadcast %sub3A_203 : i32 to vector<16xi32>
      %sub3A_205 = arith.subi %get3A_202, %sub3A_204 : vector<16xi32>
      %ge3A_206 = arith.constant 0 : i32
      %ge3A_207 = vector.broadcast %ge3A_206 : i32 to vector<16xi32>
      %ge3A_208 = arith.cmpi sge, %sub3A_205, %ge3A_207 : vector<16xi32>
      %lt3A_209 = arith.constant 5120 : i32
      %lt3A_210 = vector.broadcast %lt3A_209 : i32 to vector<16xi32>
      %lt3A_211 = arith.cmpi slt, %sub3A_205, %lt3A_210 : vector<16xi32>
      %and3A_212 = arith.andi %ge3A_208, %lt3A_211 : vector<16xi1>
      %mul3A_213 = arith.constant 5120 : i32
      %mul3A_214 = vector.broadcast %mul3A_213 : i32 to vector<16xi32>
      %mul3A_215 = arith.muli %iota3A, %mul3A_214 : vector<16xi32>
      %add3A_216 = arith.addi %sub3A_205, %mul3A_215 : vector<16xi32>
      tpu.vector_store_idx %arg5[%add3A_216], %broadcast_in_dim3A_3 masked %and3A_212 {add = true} : memref<81920xf32, #tpu.memory_space<vmem>>[vector<16xi32>], vector<16xf32>, vector<16xi1>
      %scan3A_217 = arith.constant 2 : i32
      %scan3A_218 = arith.addi %scan3A_170, %scan3A_217 : i32
      %mul3A_219 = arith.constant 1 : i32
      %mul3A_220 = arith.muli %scan3A_218, %mul3A_219 : i32
      %add3A_221 = arith.constant 0 : i32
      %add3A_222 = arith.addi %add3A_221, %mul3A_220 : i32
      %mul3A_223 = arith.constant 16 : i32
      %mul3A_224 = arith.muli %add3A_222, %mul3A_223 : i32
      %get3A_225 = arith.index_cast %mul3A_224 : i32 to index
      %get3A_226 = tpu.vector_load %arg6[%get3A_225] {strides = array<i32>} : memref<10000xi32, #tpu.memory_space<vmem>>, vector<16xi32>,
      %sub3A_227 = arith.constant 0 : i32
      %sub3A_228 = vector.broadcast %sub3A_227 : i32 to vector<16xi32>
      %sub3A_229 = arith.subi %get3A_226, %sub3A_228 : vector<16xi32>
      %ge3A_230 = arith.constant 0 : i32
      %ge3A_231 = vector.broadcast %ge3A_230 : i32 to vector<16xi32>
      %ge3A_232 = arith.cmpi sge, %sub3A_229, %ge3A_231 : vector<16xi32>
      %lt3A_233 = arith.constant 5120 : i32
      %lt3A_234 = vector.broadcast %lt3A_233 : i32 to vector<16xi32>
      %lt3A_235 = arith.cmpi slt, %sub3A_229, %lt3A_234 : vector<16xi32>
      %and3A_236 = arith.andi %ge3A_232, %lt3A_235 : vector<16xi1>
      %mul3A_237 = arith.constant 5120 : i32
      %mul3A_238 = vector.broadcast %mul3A_237 : i32 to vector<16xi32>
      %mul3A_239 = arith.muli %iota3A, %mul3A_238 : vector<16xi32>
      %add3A_240 = arith.addi %sub3A_229, %mul3A_239 : vector<16xi32>
      tpu.vector_store_idx %arg5[%add3A_240], %broadcast_in_dim3A_3 masked %and3A_236 {add = true} : memref<81920xf32, #tpu.memory_space<vmem>>[vector<16xi32>], vector<16xf32>, vector<16xi1>
      %scan3A_241 = arith.constant 3 : i32
      %scan3A_242 = arith.addi %scan3A_170, %scan3A_241 : i32
      %mul3A_243 = arith.constant 1 : i32
      %mul3A_244 = arith.muli %scan3A_242, %mul3A_243 : i32
      %add3A_245 = arith.constant 0 : i32
      %add3A_246 = arith.addi %add3A_245, %mul3A_244 : i32
      %mul3A_247 = arith.constant 16 : i32
      %mul3A_248 = arith.muli %add3A_246, %mul3A_247 : i32
      %get3A_249 = arith.index_cast %mul3A_248 : i32 to index
      %get3A_250 = tpu.vector_load %arg6[%get3A_249] {strides = array<i32>} : memref<10000xi32, #tpu.memory_space<vmem>>, vector<16xi32>,
      %sub3A_251 = arith.constant 0 : i32
      %sub3A_252 = vector.broadcast %sub3A_251 : i32 to vector<16xi32>
      %sub3A_253 = arith.subi %get3A_250, %sub3A_252 : vector<16xi32>
      %ge3A_254 = arith.constant 0 : i32
      %ge3A_255 = vector.broadcast %ge3A_254 : i32 to vector<16xi32>
      %ge3A_256 = arith.cmpi sge, %sub3A_253, %ge3A_255 : vector<16xi32>
      %lt3A_257 = arith.constant 5120 : i32
      %lt3A_258 = vector.broadcast %lt3A_257 : i32 to vector<16xi32>
      %lt3A_259 = arith.cmpi slt, %sub3A_253, %lt3A_258 : vector<16xi32>
      %and3A_260 = arith.andi %ge3A_256, %lt3A_259 : vector<16xi1>
      %mul3A_261 = arith.constant 5120 : i32
      %mul3A_262 = vector.broadcast %mul3A_261 : i32 to vector<16xi32>
      %mul3A_263 = arith.muli %iota3A, %mul3A_262 : vector<16xi32>
      %add3A_264 = arith.addi %sub3A_253, %mul3A_263 : vector<16xi32>
      tpu.vector_store_idx %arg5[%add3A_264], %broadcast_in_dim3A_3 masked %and3A_260 {add = true} : memref<81920xf32, #tpu.memory_space<vmem>>[vector<16xi32>], vector<16xf32>, vector<16xi1>
    }
    %scan3A_14 = arith.constant 624 : i32
    %scan3A_15 = arith.addi %scan3A_10, %scan3A_14 : i32
    %mul3A_16 = arith.constant 1 : i32
    %mul3A_17 = arith.muli %scan3A_15, %mul3A_16 : i32
    %add3A_18 = arith.constant 0 : i32
    %add3A_19 = arith.addi %add3A_18, %mul3A_17 : i32
    %mul3A_20 = arith.constant 16 : i32
    %mul3A_21 = arith.muli %add3A_19, %mul3A_20 : i32
    %get3A = arith.index_cast %mul3A_21 : i32 to index
    %get3A_22 = tpu.vector_load %arg6[%get3A] {strides = array<i32>} : memref<10000xi32, #tpu.memory_space<vmem>>, vector<16xi32>,
    %sub3A = arith.constant 0 : i32
    %sub3A_23 = vector.broadcast %sub3A : i32 to vector<16xi32>
    %sub3A_24 = arith.subi %get3A_22, %sub3A_23 : vector<16xi32>
    %ge3A = arith.constant 0 : i32
    %ge3A_25 = vector.broadcast %ge3A : i32 to vector<16xi32>
    %ge3A_26 = arith.cmpi sge, %sub3A_24, %ge3A_25 : vector<16xi32>
    %lt3A = arith.constant 5120 : i32
    %lt3A_27 = vector.broadcast %lt3A : i32 to vector<16xi32>
    %lt3A_28 = arith.cmpi slt, %sub3A_24, %lt3A_27 : vector<16xi32>
    %and3A = arith.andi %ge3A_26, %lt3A_28 : vector<16xi1>
    %mul3A_29 = arith.constant 5120 : i32
    %mul3A_30 = vector.broadcast %mul3A_29 : i32 to vector<16xi32>
    %mul3A_31 = arith.muli %iota3A, %mul3A_30 : vector<16xi32>
    %add3A_32 = arith.addi %sub3A_24, %mul3A_31 : vector<16xi32>
    tpu.vector_store_idx %arg5[%add3A_32], %broadcast_in_dim3A_3 masked %and3A {add = true} : memref<81920xf32, #tpu.memory_space<vmem>>[vector<16xi32>], vector<16xf32>, vector<16xi1>
    %scan3A_33 = arith.constant 625 : i32
    %mul3A_34 = arith.constant 4 : i32
    %mul3A_35 = arith.muli %add3A, %mul3A_34 : i32
    %add3A_36 = arith.constant 0 : i32
    %add3A_37 = arith.addi %mul3A_35, %add3A_36 : i32
    %add3A_38 = arith.constant 0 : i32
    %add3A_39 = arith.addi %add3A_37, %add3A_38 : i32
    %mul3A_40 = arith.constant 81920 : i32
    %mul3A_41 = arith.muli %add3A_39, %mul3A_40 : i32
    "tpu.region"() ({
      %run_scoped3A = tpu.sem_alloc : memref<!tpu.dma_semaphore, #tpu.memory_space<semaphore_mem>>
      %dma_start3A = tpu.memref_slice %arg4[%mul3A_41] : memref<10485760xf32, #tpu.memory_space<hbm>> -> memref<81920xf32, #tpu.memory_space<hbm>>
      %dma_start3A_170 = tpu.memref_slice %arg4[%mul3A_41] : memref<10485760xf32, #tpu.memory_space<hbm>> -> memref<81920xf32, #tpu.memory_space<hbm>>
      tpu.enqueue_dma source(%arg5 : memref<81920xf32, #tpu.memory_space<vmem>>) target(%dma_start3A_170 : memref<81920xf32, #tpu.memory_space<hbm>>) target_semaphore(%run_scoped3A : memref<!tpu.dma_semaphore, #tpu.memory_space<semaphore_mem>>)
      %dma_wait3A = tpu.memref_slice %arg4[%mul3A_41] : memref<10485760xf32, #tpu.memory_space<hbm>> -> memref<81920xf32, #tpu.memory_space<hbm>>
      %dma_wait3A_171 = tpu.memref_slice %arg4[%mul3A_41] : memref<10485760xf32, #tpu.memory_space<hbm>> -> memref<81920xf32, #tpu.memory_space<hbm>>
      tpu.wait_dma2 semaphore(%run_scoped3A : memref<!tpu.dma_semaphore, #tpu.memory_space<semaphore_mem>>) src(%arg5 : memref<81920xf32, #tpu.memory_space<vmem>>) dst(%dma_wait3A_171 : memref<81920xf32, #tpu.memory_space<hbm>>)
      tpu.yield
    }) : () -> ()
    %scan3A_42 = arith.constant 0 : i32
    %scan3A_43 = arith.constant 5120 : i32
    %scan3A_44 = arith.addi %scan3A_42, %scan3A_43 : i32
    %scan3A_45 = arith.constant 8 : i32
    scf.for %scan3A_170 = %scan3A_42 to %scan3A_44 step %scan3A_45  : i32 {
      %mul3A_171 = arith.constant 1 : i32
      %mul3A_172 = arith.muli %scan3A_170, %mul3A_171 : i32
      %add3A_173 = arith.constant 0 : i32
      %add3A_174 = arith.addi %add3A_173, %mul3A_172 : i32
      %mul3A_175 = arith.constant 16 : i32
      %mul3A_176 = arith.muli %add3A_174, %mul3A_175 : i32
      %swap3A = arith.index_cast %mul3A_176 : i32 to index
      %swap3A_177 = tpu.vector_load %arg5[%swap3A] {strides = array<i32>} : memref<81920xf32, #tpu.memory_space<vmem>>, vector<16xf32>,
      tpu.vector_store %arg5[%swap3A], %broadcast_in_dim3A_1 {strides = array<i32>} : memref<81920xf32, #tpu.memory_space<vmem>>, vector<16xf32>,
      %scan3A_178 = arith.constant 1 : i32
      %scan3A_179 = arith.addi %scan3A_170, %scan3A_178 : i32
      %mul3A_180 = arith.constant 1 : i32
      %mul3A_181 = arith.muli %scan3A_179, %mul3A_180 : i32
      %add3A_182 = arith.constant 0 : i32
      %add3A_183 = arith.addi %add3A_182, %mul3A_181 : i32
      %mul3A_184 = arith.constant 16 : i32
      %mul3A_185 = arith.muli %add3A_183, %mul3A_184 : i32
      %swap3A_186 = arith.index_cast %mul3A_185 : i32 to index
      %swap3A_187 = tpu.vector_load %arg5[%swap3A_186] {strides = array<i32>} : memref<81920xf32, #tpu.memory_space<vmem>>, vector<16xf32>,
      tpu.vector_store %arg5[%swap3A_186], %broadcast_in_dim3A_1 {strides = array<i32>} : memref<81920xf32, #tpu.memory_space<vmem>>, vector<16xf32>,
      %scan3A_188 = arith.constant 2 : i32
      %scan3A_189 = arith.addi %scan3A_170, %scan3A_188 : i32
      %mul3A_190 = arith.constant 1 : i32
      %mul3A_191 = arith.muli %scan3A_189, %mul3A_190 : i32
      %add3A_192 = arith.constant 0 : i32
      %add3A_193 = arith.addi %add3A_192, %mul3A_191 : i32
      %mul3A_194 = arith.constant 16 : i32
      %mul3A_195 = arith.muli %add3A_193, %mul3A_194 : i32
      %swap3A_196 = arith.index_cast %mul3A_195 : i32 to index
      %swap3A_197 = tpu.vector_load %arg5[%swap3A_196] {strides = array<i32>} : memref<81920xf32, #tpu.memory_space<vmem>>, vector<16xf32>,
      tpu.vector_store %arg5[%swap3A_196], %broadcast_in_dim3A_1 {strides = array<i32>} : memref<81920xf32, #tpu.memory_space<vmem>>, vector<16xf32>,
      %scan3A_198 = arith.constant 3 : i32
      %scan3A_199 = arith.addi %scan3A_170, %scan3A_198 : i32
      %mul3A_200 = arith.constant 1 : i32
      %mul3A_201 = arith.muli %scan3A_199, %mul3A_200 : i32
      %add3A_202 = arith.constant 0 : i32
      %add3A_203 = arith.addi %add3A_202, %mul3A_201 : i32
      %mul3A_204 = arith.constant 16 : i32
      %mul3A_205 = arith.muli %add3A_203, %mul3A_204 : i32
      %swap3A_206 = arith.index_cast %mul3A_205 : i32 to index
      %swap3A_207 = tpu.vector_load %arg5[%swap3A_206] {strides = array<i32>} : memref<81920xf32, #tpu.memory_space<vmem>>, vector<16xf32>,
      tpu.vector_store %arg5[%swap3A_206], %broadcast_in_dim3A_1 {strides = array<i32>} : memref<81920xf32, #tpu.memory_space<vmem>>, vector<16xf32>,
      %scan3A_208 = arith.constant 4 : i32
      %scan3A_209 = arith.addi %scan3A_170, %scan3A_208 : i32
      %mul3A_210 = arith.constant 1 : i32
      %mul3A_211 = arith.muli %scan3A_209, %mul3A_210 : i32
      %add3A_212 = arith.constant 0 : i32
      %add3A_213 = arith.addi %add3A_212, %mul3A_211 : i32
      %mul3A_214 = arith.constant 16 : i32
      %mul3A_215 = arith.muli %add3A_213, %mul3A_214 : i32
      %swap3A_216 = arith.index_cast %mul3A_215 : i32 to index
      %swap3A_217 = tpu.vector_load %arg5[%swap3A_216] {strides = array<i32>} : memref<81920xf32, #tpu.memory_space<vmem>>, vector<16xf32>,
      tpu.vector_store %arg5[%swap3A_216], %broadcast_in_dim3A_1 {strides = array<i32>} : memref<81920xf32, #tpu.memory_space<vmem>>, vector<16xf32>,
      %scan3A_218 = arith.constant 5 : i32
      %scan3A_219 = arith.addi %scan3A_170, %scan3A_218 : i32
      %mul3A_220 = arith.constant 1 : i32
      %mul3A_221 = arith.muli %scan3A_219, %mul3A_220 : i32
      %add3A_222 = arith.constant 0 : i32
      %add3A_223 = arith.addi %add3A_222, %mul3A_221 : i32
      %mul3A_224 = arith.constant 16 : i32
      %mul3A_225 = arith.muli %add3A_223, %mul3A_224 : i32
      %swap3A_226 = arith.index_cast %mul3A_225 : i32 to index
      %swap3A_227 = tpu.vector_load %arg5[%swap3A_226] {strides = array<i32>} : memref<81920xf32, #tpu.memory_space<vmem>>, vector<16xf32>,
      tpu.vector_store %arg5[%swap3A_226], %broadcast_in_dim3A_1 {strides = array<i32>} : memref<81920xf32, #tpu.memory_space<vmem>>, vector<16xf32>,
      %scan3A_228 = arith.constant 6 : i32
      %scan3A_229 = arith.addi %scan3A_170, %scan3A_228 : i32
      %mul3A_230 = arith.constant 1 : i32
      %mul3A_231 = arith.muli %scan3A_229, %mul3A_230 : i32
      %add3A_232 = arith.constant 0 : i32
      %add3A_233 = arith.addi %add3A_232, %mul3A_231 : i32
      %mul3A_234 = arith.constant 16 : i32
      %mul3A_235 = arith.muli %add3A_233, %mul3A_234 : i32
      %swap3A_236 = arith.index_cast %mul3A_235 : i32 to index
      %swap3A_237 = tpu.vector_load %arg5[%swap3A_236] {strides = array<i32>} : memref<81920xf32, #tpu.memory_space<vmem>>, vector<16xf32>,
      tpu.vector_store %arg5[%swap3A_236], %broadcast_in_dim3A_1 {strides = array<i32>} : memref<81920xf32, #tpu.memory_space<vmem>>, vector<16xf32>,
      %scan3A_238 = arith.constant 7 : i32
      %scan3A_239 = arith.addi %scan3A_170, %scan3A_238 : i32
      %mul3A_240 = arith.constant 1 : i32
      %mul3A_241 = arith.muli %scan3A_239, %mul3A_240 : i32
      %add3A_242 = arith.constant 0 : i32
      %add3A_243 = arith.addi %add3A_242, %mul3A_241 : i32
      %mul3A_244 = arith.constant 16 : i32
      %mul3A_245 = arith.muli %add3A_243, %mul3A_244 : i32
      %swap3A_246 = arith.index_cast %mul3A_245 : i32 to index
      %swap3A_247 = tpu.vector_load %arg5[%swap3A_246] {strides = array<i32>} : memref<81920xf32, #tpu.memory_space<vmem>>, vector<16xf32>,
      tpu.vector_store %arg5[%swap3A_246], %broadcast_in_dim3A_1 {strides = array<i32>} : memref<81920xf32, #tpu.memory_space<vmem>>, vector<16xf32>,
    }
    %scan3A_46 = arith.constant 5120 : i32
    %scan3A_47 = arith.constant 0 : i32
    %scan3A_48 = arith.constant 624 : i32
    %scan3A_49 = arith.addi %scan3A_47, %scan3A_48 : i32
    %scan3A_50 = arith.constant 4 : i32
    scf.for %scan3A_170 = %scan3A_47 to %scan3A_49 step %scan3A_50  : i32 {
      %mul3A_171 = arith.constant 1 : i32
      %mul3A_172 = arith.muli %scan3A_170, %mul3A_171 : i32
      %add3A_173 = arith.constant 0 : i32
      %add3A_174 = arith.addi %add3A_173, %mul3A_172 : i32
      %mul3A_175 = arith.constant 16 : i32
      %mul3A_176 = arith.muli %add3A_174, %mul3A_175 : i32
      %get3A_177 = arith.index_cast %mul3A_176 : i32 to index
      %get3A_178 = tpu.vector_load %arg6[%get3A_177] {strides = array<i32>} : memref<10000xi32, #tpu.memory_space<vmem>>, vector<16xi32>,
      %sub3A_179 = arith.constant 5120 : i32
      %sub3A_180 = vector.broadcast %sub3A_179 : i32 to vector<16xi32>
      %sub3A_181 = arith.subi %get3A_178, %sub3A_180 : vector<16xi32>
      %ge3A_182 = arith.constant 0 : i32
      %ge3A_183 = vector.broadcast %ge3A_182 : i32 to vector<16xi32>
      %ge3A_184 = arith.cmpi sge, %sub3A_181, %ge3A_183 : vector<16xi32>
      %lt3A_185 = arith.constant 5120 : i32
      %lt3A_186 = vector.broadcast %lt3A_185 : i32 to vector<16xi32>
      %lt3A_187 = arith.cmpi slt, %sub3A_181, %lt3A_186 : vector<16xi32>
      %and3A_188 = arith.andi %ge3A_184, %lt3A_187 : vector<16xi1>
      %mul3A_189 = arith.constant 5120 : i32
      %mul3A_190 = vector.broadcast %mul3A_189 : i32 to vector<16xi32>
      %mul3A_191 = arith.muli %iota3A, %mul3A_190 : vector<16xi32>
      %add3A_192 = arith.addi %sub3A_181, %mul3A_191 : vector<16xi32>
      tpu.vector_store_idx %arg5[%add3A_192], %broadcast_in_dim3A_3 masked %and3A_188 {add = true} : memref<81920xf32, #tpu.memory_space<vmem>>[vector<16xi32>], vector<16xf32>, vector<16xi1>
      %scan3A_193 = arith.constant 1 : i32
      %scan3A_194 = arith.addi %scan3A_170, %scan3A_193 : i32
      %mul3A_195 = arith.constant 1 : i32
      %mul3A_196 = arith.muli %scan3A_194, %mul3A_195 : i32
      %add3A_197 = arith.constant 0 : i32
      %add3A_198 = arith.addi %add3A_197, %mul3A_196 : i32
      %mul3A_199 = arith.constant 16 : i32
      %mul3A_200 = arith.muli %add3A_198, %mul3A_199 : i32
      %get3A_201 = arith.index_cast %mul3A_200 : i32 to index
      %get3A_202 = tpu.vector_load %arg6[%get3A_201] {strides = array<i32>} : memref<10000xi32, #tpu.memory_space<vmem>>, vector<16xi32>,
      %sub3A_203 = arith.constant 5120 : i32
      %sub3A_204 = vector.broadcast %sub3A_203 : i32 to vector<16xi32>
      %sub3A_205 = arith.subi %get3A_202, %sub3A_204 : vector<16xi32>
      %ge3A_206 = arith.constant 0 : i32
      %ge3A_207 = vector.broadcast %ge3A_206 : i32 to vector<16xi32>
      %ge3A_208 = arith.cmpi sge, %sub3A_205, %ge3A_207 : vector<16xi32>
      %lt3A_209 = arith.constant 5120 : i32
      %lt3A_210 = vector.broadcast %lt3A_209 : i32 to vector<16xi32>
      %lt3A_211 = arith.cmpi slt, %sub3A_205, %lt3A_210 : vector<16xi32>
      %and3A_212 = arith.andi %ge3A_208, %lt3A_211 : vector<16xi1>
      %mul3A_213 = arith.constant 5120 : i32
      %mul3A_214 = vector.broadcast %mul3A_213 : i32 to vector<16xi32>
      %mul3A_215 = arith.muli %iota3A, %mul3A_214 : vector<16xi32>
      %add3A_216 = arith.addi %sub3A_205, %mul3A_215 : vector<16xi32>
      tpu.vector_store_idx %arg5[%add3A_216], %broadcast_in_dim3A_3 masked %and3A_212 {add = true} : memref<81920xf32, #tpu.memory_space<vmem>>[vector<16xi32>], vector<16xf32>, vector<16xi1>
      %scan3A_217 = arith.constant 2 : i32
      %scan3A_218 = arith.addi %scan3A_170, %scan3A_217 : i32
      %mul3A_219 = arith.constant 1 : i32
      %mul3A_220 = arith.muli %scan3A_218, %mul3A_219 : i32
      %add3A_221 = arith.constant 0 : i32
      %add3A_222 = arith.addi %add3A_221, %mul3A_220 : i32
      %mul3A_223 = arith.constant 16 : i32
      %mul3A_224 = arith.muli %add3A_222, %mul3A_223 : i32
      %get3A_225 = arith.index_cast %mul3A_224 : i32 to index
      %get3A_226 = tpu.vector_load %arg6[%get3A_225] {strides = array<i32>} : memref<10000xi32, #tpu.memory_space<vmem>>, vector<16xi32>,
      %sub3A_227 = arith.constant 5120 : i32
      %sub3A_228 = vector.broadcast %sub3A_227 : i32 to vector<16xi32>
      %sub3A_229 = arith.subi %get3A_226, %sub3A_228 : vector<16xi32>
      %ge3A_230 = arith.constant 0 : i32
      %ge3A_231 = vector.broadcast %ge3A_230 : i32 to vector<16xi32>
      %ge3A_232 = arith.cmpi sge, %sub3A_229, %ge3A_231 : vector<16xi32>
      %lt3A_233 = arith.constant 5120 : i32
      %lt3A_234 = vector.broadcast %lt3A_233 : i32 to vector<16xi32>
      %lt3A_235 = arith.cmpi slt, %sub3A_229, %lt3A_234 : vector<16xi32>
      %and3A_236 = arith.andi %ge3A_232, %lt3A_235 : vector<16xi1>
      %mul3A_237 = arith.constant 5120 : i32
      %mul3A_238 = vector.broadcast %mul3A_237 : i32 to vector<16xi32>
      %mul3A_239 = arith.muli %iota3A, %mul3A_238 : vector<16xi32>
      %add3A_240 = arith.addi %sub3A_229, %mul3A_239 : vector<16xi32>
      tpu.vector_store_idx %arg5[%add3A_240], %broadcast_in_dim3A_3 masked %and3A_236 {add = true} : memref<81920xf32, #tpu.memory_space<vmem>>[vector<16xi32>], vector<16xf32>, vector<16xi1>
      %scan3A_241 = arith.constant 3 : i32
      %scan3A_242 = arith.addi %scan3A_170, %scan3A_241 : i32
      %mul3A_243 = arith.constant 1 : i32
      %mul3A_244 = arith.muli %scan3A_242, %mul3A_243 : i32
      %add3A_245 = arith.constant 0 : i32
      %add3A_246 = arith.addi %add3A_245, %mul3A_244 : i32
      %mul3A_247 = arith.constant 16 : i32
      %mul3A_248 = arith.muli %add3A_246, %mul3A_247 : i32
      %get3A_249 = arith.index_cast %mul3A_248 : i32 to index
      %get3A_250 = tpu.vector_load %arg6[%get3A_249] {strides = array<i32>} : memref<10000xi32, #tpu.memory_space<vmem>>, vector<16xi32>,
      %sub3A_251 = arith.constant 5120 : i32
      %sub3A_252 = vector.broadcast %sub3A_251 : i32 to vector<16xi32>
      %sub3A_253 = arith.subi %get3A_250, %sub3A_252 : vector<16xi32>
      %ge3A_254 = arith.constant 0 : i32
      %ge3A_255 = vector.broadcast %ge3A_254 : i32 to vector<16xi32>
      %ge3A_256 = arith.cmpi sge, %sub3A_253, %ge3A_255 : vector<16xi32>
      %lt3A_257 = arith.constant 5120 : i32
      %lt3A_258 = vector.broadcast %lt3A_257 : i32 to vector<16xi32>
      %lt3A_259 = arith.cmpi slt, %sub3A_253, %lt3A_258 : vector<16xi32>
      %and3A_260 = arith.andi %ge3A_256, %lt3A_259 : vector<16xi1>
      %mul3A_261 = arith.constant 5120 : i32
      %mul3A_262 = vector.broadcast %mul3A_261 : i32 to vector<16xi32>
      %mul3A_263 = arith.muli %iota3A, %mul3A_262 : vector<16xi32>
      %add3A_264 = arith.addi %sub3A_253, %mul3A_263 : vector<16xi32>
      tpu.vector_store_idx %arg5[%add3A_264], %broadcast_in_dim3A_3 masked %and3A_260 {add = true} : memref<81920xf32, #tpu.memory_space<vmem>>[vector<16xi32>], vector<16xf32>, vector<16xi1>
    }
    %scan3A_51 = arith.constant 624 : i32
    %scan3A_52 = arith.addi %scan3A_47, %scan3A_51 : i32
    %mul3A_53 = arith.constant 1 : i32
    %mul3A_54 = arith.muli %scan3A_52, %mul3A_53 : i32
    %add3A_55 = arith.constant 0 : i32
    %add3A_56 = arith.addi %add3A_55, %mul3A_54 : i32
    %mul3A_57 = arith.constant 16 : i32
    %mul3A_58 = arith.muli %add3A_56, %mul3A_57 : i32
    %get3A_59 = arith.index_cast %mul3A_58 : i32 to index
    %get3A_60 = tpu.vector_load %arg6[%get3A_59] {strides = array<i32>} : memref<10000xi32, #tpu.memory_space<vmem>>, vector<16xi32>,
    %sub3A_61 = arith.constant 5120 : i32
    %sub3A_62 = vector.broadcast %sub3A_61 : i32 to vector<16xi32>
    %sub3A_63 = arith.subi %get3A_60, %sub3A_62 : vector<16xi32>
    %ge3A_64 = arith.constant 0 : i32
    %ge3A_65 = vector.broadcast %ge3A_64 : i32 to vector<16xi32>
    %ge3A_66 = arith.cmpi sge, %sub3A_63, %ge3A_65 : vector<16xi32>
    %lt3A_67 = arith.constant 5120 : i32
    %lt3A_68 = vector.broadcast %lt3A_67 : i32 to vector<16xi32>
    %lt3A_69 = arith.cmpi slt, %sub3A_63, %lt3A_68 : vector<16xi32>
    %and3A_70 = arith.andi %ge3A_66, %lt3A_69 : vector<16xi1>
    %mul3A_71 = arith.constant 5120 : i32
    %mul3A_72 = vector.broadcast %mul3A_71 : i32 to vector<16xi32>
    %mul3A_73 = arith.muli %iota3A, %mul3A_72 : vector<16xi32>
    %add3A_74 = arith.addi %sub3A_63, %mul3A_73 : vector<16xi32>
    tpu.vector_store_idx %arg5[%add3A_74], %broadcast_in_dim3A_3 masked %and3A_70 {add = true} : memref<81920xf32, #tpu.memory_space<vmem>>[vector<16xi32>], vector<16xf32>, vector<16xi1>
    %scan3A_75 = arith.constant 625 : i32
    %mul3A_76 = arith.constant 4 : i32
    %mul3A_77 = arith.muli %add3A, %mul3A_76 : i32
    %add3A_78 = arith.constant 0 : i32
    %add3A_79 = arith.addi %mul3A_77, %add3A_78 : i32
    %add3A_80 = arith.constant 1 : i32
    %add3A_81 = arith.addi %add3A_79, %add3A_80 : i32
    %mul3A_82 = arith.constant 81920 : i32
    %mul3A_83 = arith.muli %add3A_81, %mul3A_82 : i32
    "tpu.region"() ({
      %run_scoped3A = tpu.sem_alloc : memref<!tpu.dma_semaphore, #tpu.memory_space<semaphore_mem>>
      %dma_start3A = tpu.memref_slice %arg4[%mul3A_83] : memref<10485760xf32, #tpu.memory_space<hbm>> -> memref<81920xf32, #tpu.memory_space<hbm>>
      %dma_start3A_170 = tpu.memref_slice %arg4[%mul3A_83] : memref<10485760xf32, #tpu.memory_space<hbm>> -> memref<81920xf32, #tpu.memory_space<hbm>>
      tpu.enqueue_dma source(%arg5 : memref<81920xf32, #tpu.memory_space<vmem>>) target(%dma_start3A_170 : memref<81920xf32, #tpu.memory_space<hbm>>) target_semaphore(%run_scoped3A : memref<!tpu.dma_semaphore, #tpu.memory_space<semaphore_mem>>)
      %dma_wait3A = tpu.memref_slice %arg4[%mul3A_83] : memref<10485760xf32, #tpu.memory_space<hbm>> -> memref<81920xf32, #tpu.memory_space<hbm>>
      %dma_wait3A_171 = tpu.memref_slice %arg4[%mul3A_83] : memref<10485760xf32, #tpu.memory_space<hbm>> -> memref<81920xf32, #tpu.memory_space<hbm>>
      tpu.wait_dma2 semaphore(%run_scoped3A : memref<!tpu.dma_semaphore, #tpu.memory_space<semaphore_mem>>) src(%arg5 : memref<81920xf32, #tpu.memory_space<vmem>>) dst(%dma_wait3A_171 : memref<81920xf32, #tpu.memory_space<hbm>>)
      tpu.yield
    }) : () -> ()
    %mul3A_84 = arith.constant 10000 : i32
    %mul3A_85 = arith.muli %add3A, %mul3A_84 : i32
    "tpu.region"() ({
      %run_scoped3A = tpu.sem_alloc : memref<!tpu.dma_semaphore, #tpu.memory_space<semaphore_mem>>
      %dma_start3A = tpu.memref_slice %arg3[%mul3A_85] : memref<320000xi32, #tpu.memory_space<hbm>> -> memref<10000xi32, #tpu.memory_space<hbm>>
      %dma_start3A_170 = tpu.memref_slice %arg3[%mul3A_85] : memref<320000xi32, #tpu.memory_space<hbm>> -> memref<10000xi32, #tpu.memory_space<hbm>>
      tpu.enqueue_dma source(%dma_start3A_170 : memref<10000xi32, #tpu.memory_space<hbm>>) target(%arg6 : memref<10000xi32, #tpu.memory_space<vmem>>) target_semaphore(%run_scoped3A : memref<!tpu.dma_semaphore, #tpu.memory_space<semaphore_mem>>)
      %dma_wait3A = tpu.memref_slice %arg3[%mul3A_85] : memref<320000xi32, #tpu.memory_space<hbm>> -> memref<10000xi32, #tpu.memory_space<hbm>>
      %dma_wait3A_171 = tpu.memref_slice %arg3[%mul3A_85] : memref<320000xi32, #tpu.memory_space<hbm>> -> memref<10000xi32, #tpu.memory_space<hbm>>
      tpu.wait_dma2 semaphore(%run_scoped3A : memref<!tpu.dma_semaphore, #tpu.memory_space<semaphore_mem>>) src(%dma_wait3A_171 : memref<10000xi32, #tpu.memory_space<hbm>>) dst(%arg6 : memref<10000xi32, #tpu.memory_space<vmem>>)
      tpu.yield
    }) : () -> ()
    %scan3A_86 = arith.constant 0 : i32
    %scan3A_87 = arith.constant 5120 : i32
    %scan3A_88 = arith.addi %scan3A_86, %scan3A_87 : i32
    %scan3A_89 = arith.constant 8 : i32
    scf.for %scan3A_170 = %scan3A_86 to %scan3A_88 step %scan3A_89  : i32 {
      %mul3A_171 = arith.constant 1 : i32
      %mul3A_172 = arith.muli %scan3A_170, %mul3A_171 : i32
      %add3A_173 = arith.constant 0 : i32
      %add3A_174 = arith.addi %add3A_173, %mul3A_172 : i32
      %mul3A_175 = arith.constant 16 : i32
      %mul3A_176 = arith.muli %add3A_174, %mul3A_175 : i32
      %swap3A = arith.index_cast %mul3A_176 : i32 to index
      %swap3A_177 = tpu.vector_load %arg5[%swap3A] {strides = array<i32>} : memref<81920xf32, #tpu.memory_space<vmem>>, vector<16xf32>,
      tpu.vector_store %arg5[%swap3A], %broadcast_in_dim3A_1 {strides = array<i32>} : memref<81920xf32, #tpu.memory_space<vmem>>, vector<16xf32>,
      %scan3A_178 = arith.constant 1 : i32
      %scan3A_179 = arith.addi %scan3A_170, %scan3A_178 : i32
      %mul3A_180 = arith.constant 1 : i32
      %mul3A_181 = arith.muli %scan3A_179, %mul3A_180 : i32
      %add3A_182 = arith.constant 0 : i32
      %add3A_183 = arith.addi %add3A_182, %mul3A_181 : i32
      %mul3A_184 = arith.constant 16 : i32
      %mul3A_185 = arith.muli %add3A_183, %mul3A_184 : i32
      %swap3A_186 = arith.index_cast %mul3A_185 : i32 to index
      %swap3A_187 = tpu.vector_load %arg5[%swap3A_186] {strides = array<i32>} : memref<81920xf32, #tpu.memory_space<vmem>>, vector<16xf32>,
      tpu.vector_store %arg5[%swap3A_186], %broadcast_in_dim3A_1 {strides = array<i32>} : memref<81920xf32, #tpu.memory_space<vmem>>, vector<16xf32>,
      %scan3A_188 = arith.constant 2 : i32
      %scan3A_189 = arith.addi %scan3A_170, %scan3A_188 : i32
      %mul3A_190 = arith.constant 1 : i32
      %mul3A_191 = arith.muli %scan3A_189, %mul3A_190 : i32
      %add3A_192 = arith.constant 0 : i32
      %add3A_193 = arith.addi %add3A_192, %mul3A_191 : i32
      %mul3A_194 = arith.constant 16 : i32
      %mul3A_195 = arith.muli %add3A_193, %mul3A_194 : i32
      %swap3A_196 = arith.index_cast %mul3A_195 : i32 to index
      %swap3A_197 = tpu.vector_load %arg5[%swap3A_196] {strides = array<i32>} : memref<81920xf32, #tpu.memory_space<vmem>>, vector<16xf32>,
      tpu.vector_store %arg5[%swap3A_196], %broadcast_in_dim3A_1 {strides = array<i32>} : memref<81920xf32, #tpu.memory_space<vmem>>, vector<16xf32>,
      %scan3A_198 = arith.constant 3 : i32
      %scan3A_199 = arith.addi %scan3A_170, %scan3A_198 : i32
      %mul3A_200 = arith.constant 1 : i32
      %mul3A_201 = arith.muli %scan3A_199, %mul3A_200 : i32
      %add3A_202 = arith.constant 0 : i32
      %add3A_203 = arith.addi %add3A_202, %mul3A_201 : i32
      %mul3A_204 = arith.constant 16 : i32
      %mul3A_205 = arith.muli %add3A_203, %mul3A_204 : i32
      %swap3A_206 = arith.index_cast %mul3A_205 : i32 to index
      %swap3A_207 = tpu.vector_load %arg5[%swap3A_206] {strides = array<i32>} : memref<81920xf32, #tpu.memory_space<vmem>>, vector<16xf32>,
      tpu.vector_store %arg5[%swap3A_206], %broadcast_in_dim3A_1 {strides = array<i32>} : memref<81920xf32, #tpu.memory_space<vmem>>, vector<16xf32>,
      %scan3A_208 = arith.constant 4 : i32
      %scan3A_209 = arith.addi %scan3A_170, %scan3A_208 : i32
      %mul3A_210 = arith.constant 1 : i32
      %mul3A_211 = arith.muli %scan3A_209, %mul3A_210 : i32
      %add3A_212 = arith.constant 0 : i32
      %add3A_213 = arith.addi %add3A_212, %mul3A_211 : i32
      %mul3A_214 = arith.constant 16 : i32
      %mul3A_215 = arith.muli %add3A_213, %mul3A_214 : i32
      %swap3A_216 = arith.index_cast %mul3A_215 : i32 to index
      %swap3A_217 = tpu.vector_load %arg5[%swap3A_216] {strides = array<i32>} : memref<81920xf32, #tpu.memory_space<vmem>>, vector<16xf32>,
      tpu.vector_store %arg5[%swap3A_216], %broadcast_in_dim3A_1 {strides = array<i32>} : memref<81920xf32, #tpu.memory_space<vmem>>, vector<16xf32>,
      %scan3A_218 = arith.constant 5 : i32
      %scan3A_219 = arith.addi %scan3A_170, %scan3A_218 : i32
      %mul3A_220 = arith.constant 1 : i32
      %mul3A_221 = arith.muli %scan3A_219, %mul3A_220 : i32
      %add3A_222 = arith.constant 0 : i32
      %add3A_223 = arith.addi %add3A_222, %mul3A_221 : i32
      %mul3A_224 = arith.constant 16 : i32
      %mul3A_225 = arith.muli %add3A_223, %mul3A_224 : i32
      %swap3A_226 = arith.index_cast %mul3A_225 : i32 to index
      %swap3A_227 = tpu.vector_load %arg5[%swap3A_226] {strides = array<i32>} : memref<81920xf32, #tpu.memory_space<vmem>>, vector<16xf32>,
      tpu.vector_store %arg5[%swap3A_226], %broadcast_in_dim3A_1 {strides = array<i32>} : memref<81920xf32, #tpu.memory_space<vmem>>, vector<16xf32>,
      %scan3A_228 = arith.constant 6 : i32
      %scan3A_229 = arith.addi %scan3A_170, %scan3A_228 : i32
      %mul3A_230 = arith.constant 1 : i32
      %mul3A_231 = arith.muli %scan3A_229, %mul3A_230 : i32
      %add3A_232 = arith.constant 0 : i32
      %add3A_233 = arith.addi %add3A_232, %mul3A_231 : i32
      %mul3A_234 = arith.constant 16 : i32
      %mul3A_235 = arith.muli %add3A_233, %mul3A_234 : i32
      %swap3A_236 = arith.index_cast %mul3A_235 : i32 to index
      %swap3A_237 = tpu.vector_load %arg5[%swap3A_236] {strides = array<i32>} : memref<81920xf32, #tpu.memory_space<vmem>>, vector<16xf32>,
      tpu.vector_store %arg5[%swap3A_236], %broadcast_in_dim3A_1 {strides = array<i32>} : memref<81920xf32, #tpu.memory_space<vmem>>, vector<16xf32>,
      %scan3A_238 = arith.constant 7 : i32
      %scan3A_239 = arith.addi %scan3A_170, %scan3A_238 : i32
      %mul3A_240 = arith.constant 1 : i32
      %mul3A_241 = arith.muli %scan3A_239, %mul3A_240 : i32
      %add3A_242 = arith.constant 0 : i32
      %add3A_243 = arith.addi %add3A_242, %mul3A_241 : i32
      %mul3A_244 = arith.constant 16 : i32
      %mul3A_245 = arith.muli %add3A_243, %mul3A_244 : i32
      %swap3A_246 = arith.index_cast %mul3A_245 : i32 to index
      %swap3A_247 = tpu.vector_load %arg5[%swap3A_246] {strides = array<i32>} : memref<81920xf32, #tpu.memory_space<vmem>>, vector<16xf32>,
      tpu.vector_store %arg5[%swap3A_246], %broadcast_in_dim3A_1 {strides = array<i32>} : memref<81920xf32, #tpu.memory_space<vmem>>, vector<16xf32>,
    }
    %scan3A_90 = arith.constant 5120 : i32
    %scan3A_91 = arith.constant 0 : i32
    %scan3A_92 = arith.constant 624 : i32
    %scan3A_93 = arith.addi %scan3A_91, %scan3A_92 : i32
    %scan3A_94 = arith.constant 4 : i32
    scf.for %scan3A_170 = %scan3A_91 to %scan3A_93 step %scan3A_94  : i32 {
      %mul3A_171 = arith.constant 1 : i32
      %mul3A_172 = arith.muli %scan3A_170, %mul3A_171 : i32
      %add3A_173 = arith.constant 0 : i32
      %add3A_174 = arith.addi %add3A_173, %mul3A_172 : i32
      %mul3A_175 = arith.constant 16 : i32
      %mul3A_176 = arith.muli %add3A_174, %mul3A_175 : i32
      %get3A_177 = arith.index_cast %mul3A_176 : i32 to index
      %get3A_178 = tpu.vector_load %arg6[%get3A_177] {strides = array<i32>} : memref<10000xi32, #tpu.memory_space<vmem>>, vector<16xi32>,
      %sub3A_179 = arith.constant 0 : i32
      %sub3A_180 = vector.broadcast %sub3A_179 : i32 to vector<16xi32>
      %sub3A_181 = arith.subi %get3A_178, %sub3A_180 : vector<16xi32>
      %ge3A_182 = arith.constant 0 : i32
      %ge3A_183 = vector.broadcast %ge3A_182 : i32 to vector<16xi32>
      %ge3A_184 = arith.cmpi sge, %sub3A_181, %ge3A_183 : vector<16xi32>
      %lt3A_185 = arith.constant 5120 : i32
      %lt3A_186 = vector.broadcast %lt3A_185 : i32 to vector<16xi32>
      %lt3A_187 = arith.cmpi slt, %sub3A_181, %lt3A_186 : vector<16xi32>
      %and3A_188 = arith.andi %ge3A_184, %lt3A_187 : vector<16xi1>
      %mul3A_189 = arith.constant 5120 : i32
      %mul3A_190 = vector.broadcast %mul3A_189 : i32 to vector<16xi32>
      %mul3A_191 = arith.muli %iota3A, %mul3A_190 : vector<16xi32>
      %add3A_192 = arith.addi %sub3A_181, %mul3A_191 : vector<16xi32>
      tpu.vector_store_idx %arg5[%add3A_192], %broadcast_in_dim3A_3 masked %and3A_188 {add = true} : memref<81920xf32, #tpu.memory_space<vmem>>[vector<16xi32>], vector<16xf32>, vector<16xi1>
      %scan3A_193 = arith.constant 1 : i32
      %scan3A_194 = arith.addi %scan3A_170, %scan3A_193 : i32
      %mul3A_195 = arith.constant 1 : i32
      %mul3A_196 = arith.muli %scan3A_194, %mul3A_195 : i32
      %add3A_197 = arith.constant 0 : i32
      %add3A_198 = arith.addi %add3A_197, %mul3A_196 : i32
      %mul3A_199 = arith.constant 16 : i32
      %mul3A_200 = arith.muli %add3A_198, %mul3A_199 : i32
      %get3A_201 = arith.index_cast %mul3A_200 : i32 to index
      %get3A_202 = tpu.vector_load %arg6[%get3A_201] {strides = array<i32>} : memref<10000xi32, #tpu.memory_space<vmem>>, vector<16xi32>,
      %sub3A_203 = arith.constant 0 : i32
      %sub3A_204 = vector.broadcast %sub3A_203 : i32 to vector<16xi32>
      %sub3A_205 = arith.subi %get3A_202, %sub3A_204 : vector<16xi32>
      %ge3A_206 = arith.constant 0 : i32
      %ge3A_207 = vector.broadcast %ge3A_206 : i32 to vector<16xi32>
      %ge3A_208 = arith.cmpi sge, %sub3A_205, %ge3A_207 : vector<16xi32>
      %lt3A_209 = arith.constant 5120 : i32
      %lt3A_210 = vector.broadcast %lt3A_209 : i32 to vector<16xi32>
      %lt3A_211 = arith.cmpi slt, %sub3A_205, %lt3A_210 : vector<16xi32>
      %and3A_212 = arith.andi %ge3A_208, %lt3A_211 : vector<16xi1>
      %mul3A_213 = arith.constant 5120 : i32
      %mul3A_214 = vector.broadcast %mul3A_213 : i32 to vector<16xi32>
      %mul3A_215 = arith.muli %iota3A, %mul3A_214 : vector<16xi32>
      %add3A_216 = arith.addi %sub3A_205, %mul3A_215 : vector<16xi32>
      tpu.vector_store_idx %arg5[%add3A_216], %broadcast_in_dim3A_3 masked %and3A_212 {add = true} : memref<81920xf32, #tpu.memory_space<vmem>>[vector<16xi32>], vector<16xf32>, vector<16xi1>
      %scan3A_217 = arith.constant 2 : i32
      %scan3A_218 = arith.addi %scan3A_170, %scan3A_217 : i32
      %mul3A_219 = arith.constant 1 : i32
      %mul3A_220 = arith.muli %scan3A_218, %mul3A_219 : i32
      %add3A_221 = arith.constant 0 : i32
      %add3A_222 = arith.addi %add3A_221, %mul3A_220 : i32
      %mul3A_223 = arith.constant 16 : i32
      %mul3A_224 = arith.muli %add3A_222, %mul3A_223 : i32
      %get3A_225 = arith.index_cast %mul3A_224 : i32 to index
      %get3A_226 = tpu.vector_load %arg6[%get3A_225] {strides = array<i32>} : memref<10000xi32, #tpu.memory_space<vmem>>, vector<16xi32>,
      %sub3A_227 = arith.constant 0 : i32
      %sub3A_228 = vector.broadcast %sub3A_227 : i32 to vector<16xi32>
      %sub3A_229 = arith.subi %get3A_226, %sub3A_228 : vector<16xi32>
      %ge3A_230 = arith.constant 0 : i32
      %ge3A_231 = vector.broadcast %ge3A_230 : i32 to vector<16xi32>
      %ge3A_232 = arith.cmpi sge, %sub3A_229, %ge3A_231 : vector<16xi32>
      %lt3A_233 = arith.constant 5120 : i32
      %lt3A_234 = vector.broadcast %lt3A_233 : i32 to vector<16xi32>
      %lt3A_235 = arith.cmpi slt, %sub3A_229, %lt3A_234 : vector<16xi32>
      %and3A_236 = arith.andi %ge3A_232, %lt3A_235 : vector<16xi1>
      %mul3A_237 = arith.constant 5120 : i32
      %mul3A_238 = vector.broadcast %mul3A_237 : i32 to vector<16xi32>
      %mul3A_239 = arith.muli %iota3A, %mul3A_238 : vector<16xi32>
      %add3A_240 = arith.addi %sub3A_229, %mul3A_239 : vector<16xi32>
      tpu.vector_store_idx %arg5[%add3A_240], %broadcast_in_dim3A_3 masked %and3A_236 {add = true} : memref<81920xf32, #tpu.memory_space<vmem>>[vector<16xi32>], vector<16xf32>, vector<16xi1>
      %scan3A_241 = arith.constant 3 : i32
      %scan3A_242 = arith.addi %scan3A_170, %scan3A_241 : i32
      %mul3A_243 = arith.constant 1 : i32
      %mul3A_244 = arith.muli %scan3A_242, %mul3A_243 : i32
      %add3A_245 = arith.constant 0 : i32
      %add3A_246 = arith.addi %add3A_245, %mul3A_244 : i32
      %mul3A_247 = arith.constant 16 : i32
      %mul3A_248 = arith.muli %add3A_246, %mul3A_247 : i32
      %get3A_249 = arith.index_cast %mul3A_248 : i32 to index
      %get3A_250 = tpu.vector_load %arg6[%get3A_249] {strides = array<i32>} : memref<10000xi32, #tpu.memory_space<vmem>>, vector<16xi32>,
      %sub3A_251 = arith.constant 0 : i32
      %sub3A_252 = vector.broadcast %sub3A_251 : i32 to vector<16xi32>
      %sub3A_253 = arith.subi %get3A_250, %sub3A_252 : vector<16xi32>
      %ge3A_254 = arith.constant 0 : i32
      %ge3A_255 = vector.broadcast %ge3A_254 : i32 to vector<16xi32>
      %ge3A_256 = arith.cmpi sge, %sub3A_253, %ge3A_255 : vector<16xi32>
      %lt3A_257 = arith.constant 5120 : i32
      %lt3A_258 = vector.broadcast %lt3A_257 : i32 to vector<16xi32>
      %lt3A_259 = arith.cmpi slt, %sub3A_253, %lt3A_258 : vector<16xi32>
      %and3A_260 = arith.andi %ge3A_256, %lt3A_259 : vector<16xi1>
      %mul3A_261 = arith.constant 5120 : i32
      %mul3A_262 = vector.broadcast %mul3A_261 : i32 to vector<16xi32>
      %mul3A_263 = arith.muli %iota3A, %mul3A_262 : vector<16xi32>
      %add3A_264 = arith.addi %sub3A_253, %mul3A_263 : vector<16xi32>
      tpu.vector_store_idx %arg5[%add3A_264], %broadcast_in_dim3A_3 masked %and3A_260 {add = true} : memref<81920xf32, #tpu.memory_space<vmem>>[vector<16xi32>], vector<16xf32>, vector<16xi1>
    }
    %scan3A_95 = arith.constant 624 : i32
    %scan3A_96 = arith.addi %scan3A_91, %scan3A_95 : i32
    %mul3A_97 = arith.constant 1 : i32
    %mul3A_98 = arith.muli %scan3A_96, %mul3A_97 : i32
    %add3A_99 = arith.constant 0 : i32
    %add3A_100 = arith.addi %add3A_99, %mul3A_98 : i32
    %mul3A_101 = arith.constant 16 : i32
    %mul3A_102 = arith.muli %add3A_100, %mul3A_101 : i32
    %get3A_103 = arith.index_cast %mul3A_102 : i32 to index
    %get3A_104 = tpu.vector_load %arg6[%get3A_103] {strides = array<i32>} : memref<10000xi32, #tpu.memory_space<vmem>>, vector<16xi32>,
    %sub3A_105 = arith.constant 0 : i32
    %sub3A_106 = vector.broadcast %sub3A_105 : i32 to vector<16xi32>
    %sub3A_107 = arith.subi %get3A_104, %sub3A_106 : vector<16xi32>
    %ge3A_108 = arith.constant 0 : i32
    %ge3A_109 = vector.broadcast %ge3A_108 : i32 to vector<16xi32>
    %ge3A_110 = arith.cmpi sge, %sub3A_107, %ge3A_109 : vector<16xi32>
    %lt3A_111 = arith.constant 5120 : i32
    %lt3A_112 = vector.broadcast %lt3A_111 : i32 to vector<16xi32>
    %lt3A_113 = arith.cmpi slt, %sub3A_107, %lt3A_112 : vector<16xi32>
    %and3A_114 = arith.andi %ge3A_110, %lt3A_113 : vector<16xi1>
    %mul3A_115 = arith.constant 5120 : i32
    %mul3A_116 = vector.broadcast %mul3A_115 : i32 to vector<16xi32>
    %mul3A_117 = arith.muli %iota3A, %mul3A_116 : vector<16xi32>
    %add3A_118 = arith.addi %sub3A_107, %mul3A_117 : vector<16xi32>
    tpu.vector_store_idx %arg5[%add3A_118], %broadcast_in_dim3A_3 masked %and3A_114 {add = true} : memref<81920xf32, #tpu.memory_space<vmem>>[vector<16xi32>], vector<16xf32>, vector<16xi1>
    %scan3A_119 = arith.constant 625 : i32
    %mul3A_120 = arith.constant 4 : i32
    %mul3A_121 = arith.muli %add3A, %mul3A_120 : i32
    %add3A_122 = arith.constant 2 : i32
    %add3A_123 = arith.addi %mul3A_121, %add3A_122 : i32
    %add3A_124 = arith.constant 0 : i32
    %add3A_125 = arith.addi %add3A_123, %add3A_124 : i32
    %mul3A_126 = arith.constant 81920 : i32
    %mul3A_127 = arith.muli %add3A_125, %mul3A_126 : i32
    "tpu.region"() ({
      %run_scoped3A = tpu.sem_alloc : memref<!tpu.dma_semaphore, #tpu.memory_space<semaphore_mem>>
      %dma_start3A = tpu.memref_slice %arg4[%mul3A_127] : memref<10485760xf32, #tpu.memory_space<hbm>> -> memref<81920xf32, #tpu.memory_space<hbm>>
      %dma_start3A_170 = tpu.memref_slice %arg4[%mul3A_127] : memref<10485760xf32, #tpu.memory_space<hbm>> -> memref<81920xf32, #tpu.memory_space<hbm>>
      tpu.enqueue_dma source(%arg5 : memref<81920xf32, #tpu.memory_space<vmem>>) target(%dma_start3A_170 : memref<81920xf32, #tpu.memory_space<hbm>>) target_semaphore(%run_scoped3A : memref<!tpu.dma_semaphore, #tpu.memory_space<semaphore_mem>>)
      %dma_wait3A = tpu.memref_slice %arg4[%mul3A_127] : memref<10485760xf32, #tpu.memory_space<hbm>> -> memref<81920xf32, #tpu.memory_space<hbm>>
      %dma_wait3A_171 = tpu.memref_slice %arg4[%mul3A_127] : memref<10485760xf32, #tpu.memory_space<hbm>> -> memref<81920xf32, #tpu.memory_space<hbm>>
      tpu.wait_dma2 semaphore(%run_scoped3A : memref<!tpu.dma_semaphore, #tpu.memory_space<semaphore_mem>>) src(%arg5 : memref<81920xf32, #tpu.memory_space<vmem>>) dst(%dma_wait3A_171 : memref<81920xf32, #tpu.memory_space<hbm>>)
      tpu.yield
    }) : () -> ()
    %scan3A_128 = arith.constant 0 : i32
    %scan3A_129 = arith.constant 5120 : i32
    %scan3A_130 = arith.addi %scan3A_128, %scan3A_129 : i32
    %scan3A_131 = arith.constant 8 : i32
    scf.for %scan3A_170 = %scan3A_128 to %scan3A_130 step %scan3A_131  : i32 {
      %mul3A_171 = arith.constant 1 : i32
      %mul3A_172 = arith.muli %scan3A_170, %mul3A_171 : i32
      %add3A_173 = arith.constant 0 : i32
      %add3A_174 = arith.addi %add3A_173, %mul3A_172 : i32
      %mul3A_175 = arith.constant 16 : i32
      %mul3A_176 = arith.muli %add3A_174, %mul3A_175 : i32
      %swap3A = arith.index_cast %mul3A_176 : i32 to index
      %swap3A_177 = tpu.vector_load %arg5[%swap3A] {strides = array<i32>} : memref<81920xf32, #tpu.memory_space<vmem>>, vector<16xf32>,
      tpu.vector_store %arg5[%swap3A], %broadcast_in_dim3A_1 {strides = array<i32>} : memref<81920xf32, #tpu.memory_space<vmem>>, vector<16xf32>,
      %scan3A_178 = arith.constant 1 : i32
      %scan3A_179 = arith.addi %scan3A_170, %scan3A_178 : i32
      %mul3A_180 = arith.constant 1 : i32
      %mul3A_181 = arith.muli %scan3A_179, %mul3A_180 : i32
      %add3A_182 = arith.constant 0 : i32
      %add3A_183 = arith.addi %add3A_182, %mul3A_181 : i32
      %mul3A_184 = arith.constant 16 : i32
      %mul3A_185 = arith.muli %add3A_183, %mul3A_184 : i32
      %swap3A_186 = arith.index_cast %mul3A_185 : i32 to index
      %swap3A_187 = tpu.vector_load %arg5[%swap3A_186] {strides = array<i32>} : memref<81920xf32, #tpu.memory_space<vmem>>, vector<16xf32>,
      tpu.vector_store %arg5[%swap3A_186], %broadcast_in_dim3A_1 {strides = array<i32>} : memref<81920xf32, #tpu.memory_space<vmem>>, vector<16xf32>,
      %scan3A_188 = arith.constant 2 : i32
      %scan3A_189 = arith.addi %scan3A_170, %scan3A_188 : i32
      %mul3A_190 = arith.constant 1 : i32
      %mul3A_191 = arith.muli %scan3A_189, %mul3A_190 : i32
      %add3A_192 = arith.constant 0 : i32
      %add3A_193 = arith.addi %add3A_192, %mul3A_191 : i32
      %mul3A_194 = arith.constant 16 : i32
      %mul3A_195 = arith.muli %add3A_193, %mul3A_194 : i32
      %swap3A_196 = arith.index_cast %mul3A_195 : i32 to index
      %swap3A_197 = tpu.vector_load %arg5[%swap3A_196] {strides = array<i32>} : memref<81920xf32, #tpu.memory_space<vmem>>, vector<16xf32>,
      tpu.vector_store %arg5[%swap3A_196], %broadcast_in_dim3A_1 {strides = array<i32>} : memref<81920xf32, #tpu.memory_space<vmem>>, vector<16xf32>,
      %scan3A_198 = arith.constant 3 : i32
      %scan3A_199 = arith.addi %scan3A_170, %scan3A_198 : i32
      %mul3A_200 = arith.constant 1 : i32
      %mul3A_201 = arith.muli %scan3A_199, %mul3A_200 : i32
      %add3A_202 = arith.constant 0 : i32
      %add3A_203 = arith.addi %add3A_202, %mul3A_201 : i32
      %mul3A_204 = arith.constant 16 : i32
      %mul3A_205 = arith.muli %add3A_203, %mul3A_204 : i32
      %swap3A_206 = arith.index_cast %mul3A_205 : i32 to index
      %swap3A_207 = tpu.vector_load %arg5[%swap3A_206] {strides = array<i32>} : memref<81920xf32, #tpu.memory_space<vmem>>, vector<16xf32>,
      tpu.vector_store %arg5[%swap3A_206], %broadcast_in_dim3A_1 {strides = array<i32>} : memref<81920xf32, #tpu.memory_space<vmem>>, vector<16xf32>,
      %scan3A_208 = arith.constant 4 : i32
      %scan3A_209 = arith.addi %scan3A_170, %scan3A_208 : i32
      %mul3A_210 = arith.constant 1 : i32
      %mul3A_211 = arith.muli %scan3A_209, %mul3A_210 : i32
      %add3A_212 = arith.constant 0 : i32
      %add3A_213 = arith.addi %add3A_212, %mul3A_211 : i32
      %mul3A_214 = arith.constant 16 : i32
      %mul3A_215 = arith.muli %add3A_213, %mul3A_214 : i32
      %swap3A_216 = arith.index_cast %mul3A_215 : i32 to index
      %swap3A_217 = tpu.vector_load %arg5[%swap3A_216] {strides = array<i32>} : memref<81920xf32, #tpu.memory_space<vmem>>, vector<16xf32>,
      tpu.vector_store %arg5[%swap3A_216], %broadcast_in_dim3A_1 {strides = array<i32>} : memref<81920xf32, #tpu.memory_space<vmem>>, vector<16xf32>,
      %scan3A_218 = arith.constant 5 : i32
      %scan3A_219 = arith.addi %scan3A_170, %scan3A_218 : i32
      %mul3A_220 = arith.constant 1 : i32
      %mul3A_221 = arith.muli %scan3A_219, %mul3A_220 : i32
      %add3A_222 = arith.constant 0 : i32
      %add3A_223 = arith.addi %add3A_222, %mul3A_221 : i32
      %mul3A_224 = arith.constant 16 : i32
      %mul3A_225 = arith.muli %add3A_223, %mul3A_224 : i32
      %swap3A_226 = arith.index_cast %mul3A_225 : i32 to index
      %swap3A_227 = tpu.vector_load %arg5[%swap3A_226] {strides = array<i32>} : memref<81920xf32, #tpu.memory_space<vmem>>, vector<16xf32>,
      tpu.vector_store %arg5[%swap3A_226], %broadcast_in_dim3A_1 {strides = array<i32>} : memref<81920xf32, #tpu.memory_space<vmem>>, vector<16xf32>,
      %scan3A_228 = arith.constant 6 : i32
      %scan3A_229 = arith.addi %scan3A_170, %scan3A_228 : i32
      %mul3A_230 = arith.constant 1 : i32
      %mul3A_231 = arith.muli %scan3A_229, %mul3A_230 : i32
      %add3A_232 = arith.constant 0 : i32
      %add3A_233 = arith.addi %add3A_232, %mul3A_231 : i32
      %mul3A_234 = arith.constant 16 : i32
      %mul3A_235 = arith.muli %add3A_233, %mul3A_234 : i32
      %swap3A_236 = arith.index_cast %mul3A_235 : i32 to index
      %swap3A_237 = tpu.vector_load %arg5[%swap3A_236] {strides = array<i32>} : memref<81920xf32, #tpu.memory_space<vmem>>, vector<16xf32>,
      tpu.vector_store %arg5[%swap3A_236], %broadcast_in_dim3A_1 {strides = array<i32>} : memref<81920xf32, #tpu.memory_space<vmem>>, vector<16xf32>,
      %scan3A_238 = arith.constant 7 : i32
      %scan3A_239 = arith.addi %scan3A_170, %scan3A_238 : i32
      %mul3A_240 = arith.constant 1 : i32
      %mul3A_241 = arith.muli %scan3A_239, %mul3A_240 : i32
      %add3A_242 = arith.constant 0 : i32
      %add3A_243 = arith.addi %add3A_242, %mul3A_241 : i32
      %mul3A_244 = arith.constant 16 : i32
      %mul3A_245 = arith.muli %add3A_243, %mul3A_244 : i32
      %swap3A_246 = arith.index_cast %mul3A_245 : i32 to index
      %swap3A_247 = tpu.vector_load %arg5[%swap3A_246] {strides = array<i32>} : memref<81920xf32, #tpu.memory_space<vmem>>, vector<16xf32>,
      tpu.vector_store %arg5[%swap3A_246], %broadcast_in_dim3A_1 {strides = array<i32>} : memref<81920xf32, #tpu.memory_space<vmem>>, vector<16xf32>,
    }
    %scan3A_132 = arith.constant 5120 : i32
    %scan3A_133 = arith.constant 0 : i32
    %scan3A_134 = arith.constant 624 : i32
    %scan3A_135 = arith.addi %scan3A_133, %scan3A_134 : i32
    %scan3A_136 = arith.constant 4 : i32
    scf.for %scan3A_170 = %scan3A_133 to %scan3A_135 step %scan3A_136  : i32 {
      %mul3A_171 = arith.constant 1 : i32
      %mul3A_172 = arith.muli %scan3A_170, %mul3A_171 : i32
      %add3A_173 = arith.constant 0 : i32
      %add3A_174 = arith.addi %add3A_173, %mul3A_172 : i32
      %mul3A_175 = arith.constant 16 : i32
      %mul3A_176 = arith.muli %add3A_174, %mul3A_175 : i32
      %get3A_177 = arith.index_cast %mul3A_176 : i32 to index
      %get3A_178 = tpu.vector_load %arg6[%get3A_177] {strides = array<i32>} : memref<10000xi32, #tpu.memory_space<vmem>>, vector<16xi32>,
      %sub3A_179 = arith.constant 5120 : i32
      %sub3A_180 = vector.broadcast %sub3A_179 : i32 to vector<16xi32>
      %sub3A_181 = arith.subi %get3A_178, %sub3A_180 : vector<16xi32>
      %ge3A_182 = arith.constant 0 : i32
      %ge3A_183 = vector.broadcast %ge3A_182 : i32 to vector<16xi32>
      %ge3A_184 = arith.cmpi sge, %sub3A_181, %ge3A_183 : vector<16xi32>
      %lt3A_185 = arith.constant 5120 : i32
      %lt3A_186 = vector.broadcast %lt3A_185 : i32 to vector<16xi32>
      %lt3A_187 = arith.cmpi slt, %sub3A_181, %lt3A_186 : vector<16xi32>
      %and3A_188 = arith.andi %ge3A_184, %lt3A_187 : vector<16xi1>
      %mul3A_189 = arith.constant 5120 : i32
      %mul3A_190 = vector.broadcast %mul3A_189 : i32 to vector<16xi32>
      %mul3A_191 = arith.muli %iota3A, %mul3A_190 : vector<16xi32>
      %add3A_192 = arith.addi %sub3A_181, %mul3A_191 : vector<16xi32>
      tpu.vector_store_idx %arg5[%add3A_192], %broadcast_in_dim3A_3 masked %and3A_188 {add = true} : memref<81920xf32, #tpu.memory_space<vmem>>[vector<16xi32>], vector<16xf32>, vector<16xi1>
      %scan3A_193 = arith.constant 1 : i32
      %scan3A_194 = arith.addi %scan3A_170, %scan3A_193 : i32
      %mul3A_195 = arith.constant 1 : i32
      %mul3A_196 = arith.muli %scan3A_194, %mul3A_195 : i32
      %add3A_197 = arith.constant 0 : i32
      %add3A_198 = arith.addi %add3A_197, %mul3A_196 : i32
      %mul3A_199 = arith.constant 16 : i32
      %mul3A_200 = arith.muli %add3A_198, %mul3A_199 : i32
      %get3A_201 = arith.index_cast %mul3A_200 : i32 to index
      %get3A_202 = tpu.vector_load %arg6[%get3A_201] {strides = array<i32>} : memref<10000xi32, #tpu.memory_space<vmem>>, vector<16xi32>,
      %sub3A_203 = arith.constant 5120 : i32
      %sub3A_204 = vector.broadcast %sub3A_203 : i32 to vector<16xi32>
      %sub3A_205 = arith.subi %get3A_202, %sub3A_204 : vector<16xi32>
      %ge3A_206 = arith.constant 0 : i32
      %ge3A_207 = vector.broadcast %ge3A_206 : i32 to vector<16xi32>
      %ge3A_208 = arith.cmpi sge, %sub3A_205, %ge3A_207 : vector<16xi32>
      %lt3A_209 = arith.constant 5120 : i32
      %lt3A_210 = vector.broadcast %lt3A_209 : i32 to vector<16xi32>
      %lt3A_211 = arith.cmpi slt, %sub3A_205, %lt3A_210 : vector<16xi32>
      %and3A_212 = arith.andi %ge3A_208, %lt3A_211 : vector<16xi1>
      %mul3A_213 = arith.constant 5120 : i32
      %mul3A_214 = vector.broadcast %mul3A_213 : i32 to vector<16xi32>
      %mul3A_215 = arith.muli %iota3A, %mul3A_214 : vector<16xi32>
      %add3A_216 = arith.addi %sub3A_205, %mul3A_215 : vector<16xi32>
      tpu.vector_store_idx %arg5[%add3A_216], %broadcast_in_dim3A_3 masked %and3A_212 {add = true} : memref<81920xf32, #tpu.memory_space<vmem>>[vector<16xi32>], vector<16xf32>, vector<16xi1>
      %scan3A_217 = arith.constant 2 : i32
      %scan3A_218 = arith.addi %scan3A_170, %scan3A_217 : i32
      %mul3A_219 = arith.constant 1 : i32
      %mul3A_220 = arith.muli %scan3A_218, %mul3A_219 : i32
      %add3A_221 = arith.constant 0 : i32
      %add3A_222 = arith.addi %add3A_221, %mul3A_220 : i32
      %mul3A_223 = arith.constant 16 : i32
      %mul3A_224 = arith.muli %add3A_222, %mul3A_223 : i32
      %get3A_225 = arith.index_cast %mul3A_224 : i32 to index
      %get3A_226 = tpu.vector_load %arg6[%get3A_225] {strides = array<i32>} : memref<10000xi32, #tpu.memory_space<vmem>>, vector<16xi32>,
      %sub3A_227 = arith.constant 5120 : i32
      %sub3A_228 = vector.broadcast %sub3A_227 : i32 to vector<16xi32>
      %sub3A_229 = arith.subi %get3A_226, %sub3A_228 : vector<16xi32>
      %ge3A_230 = arith.constant 0 : i32
      %ge3A_231 = vector.broadcast %ge3A_230 : i32 to vector<16xi32>
      %ge3A_232 = arith.cmpi sge, %sub3A_229, %ge3A_231 : vector<16xi32>
      %lt3A_233 = arith.constant 5120 : i32
      %lt3A_234 = vector.broadcast %lt3A_233 : i32 to vector<16xi32>
      %lt3A_235 = arith.cmpi slt, %sub3A_229, %lt3A_234 : vector<16xi32>
      %and3A_236 = arith.andi %ge3A_232, %lt3A_235 : vector<16xi1>
      %mul3A_237 = arith.constant 5120 : i32
      %mul3A_238 = vector.broadcast %mul3A_237 : i32 to vector<16xi32>
      %mul3A_239 = arith.muli %iota3A, %mul3A_238 : vector<16xi32>
      %add3A_240 = arith.addi %sub3A_229, %mul3A_239 : vector<16xi32>
      tpu.vector_store_idx %arg5[%add3A_240], %broadcast_in_dim3A_3 masked %and3A_236 {add = true} : memref<81920xf32, #tpu.memory_space<vmem>>[vector<16xi32>], vector<16xf32>, vector<16xi1>
      %scan3A_241 = arith.constant 3 : i32
      %scan3A_242 = arith.addi %scan3A_170, %scan3A_241 : i32
      %mul3A_243 = arith.constant 1 : i32
      %mul3A_244 = arith.muli %scan3A_242, %mul3A_243 : i32
      %add3A_245 = arith.constant 0 : i32
      %add3A_246 = arith.addi %add3A_245, %mul3A_244 : i32
      %mul3A_247 = arith.constant 16 : i32
      %mul3A_248 = arith.muli %add3A_246, %mul3A_247 : i32
      %get3A_249 = arith.index_cast %mul3A_248 : i32 to index
      %get3A_250 = tpu.vector_load %arg6[%get3A_249] {strides = array<i32>} : memref<10000xi32, #tpu.memory_space<vmem>>, vector<16xi32>,
      %sub3A_251 = arith.constant 5120 : i32
      %sub3A_252 = vector.broadcast %sub3A_251 : i32 to vector<16xi32>
      %sub3A_253 = arith.subi %get3A_250, %sub3A_252 : vector<16xi32>
      %ge3A_254 = arith.constant 0 : i32
      %ge3A_255 = vector.broadcast %ge3A_254 : i32 to vector<16xi32>
      %ge3A_256 = arith.cmpi sge, %sub3A_253, %ge3A_255 : vector<16xi32>
      %lt3A_257 = arith.constant 5120 : i32
      %lt3A_258 = vector.broadcast %lt3A_257 : i32 to vector<16xi32>
      %lt3A_259 = arith.cmpi slt, %sub3A_253, %lt3A_258 : vector<16xi32>
      %and3A_260 = arith.andi %ge3A_256, %lt3A_259 : vector<16xi1>
      %mul3A_261 = arith.constant 5120 : i32
      %mul3A_262 = vector.broadcast %mul3A_261 : i32 to vector<16xi32>
      %mul3A_263 = arith.muli %iota3A, %mul3A_262 : vector<16xi32>
      %add3A_264 = arith.addi %sub3A_253, %mul3A_263 : vector<16xi32>
      tpu.vector_store_idx %arg5[%add3A_264], %broadcast_in_dim3A_3 masked %and3A_260 {add = true} : memref<81920xf32, #tpu.memory_space<vmem>>[vector<16xi32>], vector<16xf32>, vector<16xi1>
    }
    %scan3A_137 = arith.constant 624 : i32
    %scan3A_138 = arith.addi %scan3A_133, %scan3A_137 : i32
    %mul3A_139 = arith.constant 1 : i32
    %mul3A_140 = arith.muli %scan3A_138, %mul3A_139 : i32
    %add3A_141 = arith.constant 0 : i32
    %add3A_142 = arith.addi %add3A_141, %mul3A_140 : i32
    %mul3A_143 = arith.constant 16 : i32
    %mul3A_144 = arith.muli %add3A_142, %mul3A_143 : i32
    %get3A_145 = arith.index_cast %mul3A_144 : i32 to index
    %get3A_146 = tpu.vector_load %arg6[%get3A_145] {strides = array<i32>} : memref<10000xi32, #tpu.memory_space<vmem>>, vector<16xi32>,
    %sub3A_147 = arith.constant 5120 : i32
    %sub3A_148 = vector.broadcast %sub3A_147 : i32 to vector<16xi32>
    %sub3A_149 = arith.subi %get3A_146, %sub3A_148 : vector<16xi32>
    %ge3A_150 = arith.constant 0 : i32
    %ge3A_151 = vector.broadcast %ge3A_150 : i32 to vector<16xi32>
    %ge3A_152 = arith.cmpi sge, %sub3A_149, %ge3A_151 : vector<16xi32>
    %lt3A_153 = arith.constant 5120 : i32
    %lt3A_154 = vector.broadcast %lt3A_153 : i32 to vector<16xi32>
    %lt3A_155 = arith.cmpi slt, %sub3A_149, %lt3A_154 : vector<16xi32>
    %and3A_156 = arith.andi %ge3A_152, %lt3A_155 : vector<16xi1>
    %mul3A_157 = arith.constant 5120 : i32
    %mul3A_158 = vector.broadcast %mul3A_157 : i32 to vector<16xi32>
    %mul3A_159 = arith.muli %iota3A, %mul3A_158 : vector<16xi32>
    %add3A_160 = arith.addi %sub3A_149, %mul3A_159 : vector<16xi32>
    tpu.vector_store_idx %arg5[%add3A_160], %broadcast_in_dim3A_3 masked %and3A_156 {add = true} : memref<81920xf32, #tpu.memory_space<vmem>>[vector<16xi32>], vector<16xf32>, vector<16xi1>
    %scan3A_161 = arith.constant 625 : i32
    %mul3A_162 = arith.constant 4 : i32
    %mul3A_163 = arith.muli %add3A, %mul3A_162 : i32
    %add3A_164 = arith.constant 2 : i32
    %add3A_165 = arith.addi %mul3A_163, %add3A_164 : i32
    %add3A_166 = arith.constant 1 : i32
    %add3A_167 = arith.addi %add3A_165, %add3A_166 : i32
    %mul3A_168 = arith.constant 81920 : i32
    %mul3A_169 = arith.muli %add3A_167, %mul3A_168 : i32
    "tpu.region"() ({
      %run_scoped3A = tpu.sem_alloc : memref<!tpu.dma_semaphore, #tpu.memory_space<semaphore_mem>>
      %dma_start3A = tpu.memref_slice %arg4[%mul3A_169] : memref<10485760xf32, #tpu.memory_space<hbm>> -> memref<81920xf32, #tpu.memory_space<hbm>>
      %dma_start3A_170 = tpu.memref_slice %arg4[%mul3A_169] : memref<10485760xf32, #tpu.memory_space<hbm>> -> memref<81920xf32, #tpu.memory_space<hbm>>
      tpu.enqueue_dma source(%arg5 : memref<81920xf32, #tpu.memory_space<vmem>>) target(%dma_start3A_170 : memref<81920xf32, #tpu.memory_space<hbm>>) target_semaphore(%run_scoped3A : memref<!tpu.dma_semaphore, #tpu.memory_space<semaphore_mem>>)
      %dma_wait3A = tpu.memref_slice %arg4[%mul3A_169] : memref<10485760xf32, #tpu.memory_space<hbm>> -> memref<81920xf32, #tpu.memory_space<hbm>>
      %dma_wait3A_171 = tpu.memref_slice %arg4[%mul3A_169] : memref<10485760xf32, #tpu.memory_space<hbm>> -> memref<81920xf32, #tpu.memory_space<hbm>>
      tpu.wait_dma2 semaphore(%run_scoped3A : memref<!tpu.dma_semaphore, #tpu.memory_space<semaphore_mem>>) src(%arg5 : memref<81920xf32, #tpu.memory_space<vmem>>) dst(%dma_wait3A_171 : memref<81920xf32, #tpu.memory_space<hbm>>)
      tpu.yield
    }) : () -> ()
    return
  }
}

#map = affine_map<(d0, d1) -> (0, 0)>
#map1 = affine_map<(d0, d1) -> (0)>
#map2 = affine_map<(d0, d1) -> (0, 0, 0)>
module attributes {stable_mosaic.version = 14 : i64} {
  func.func @_sc_scatter_body(%arg0: i32, %arg1: i32, %arg2: memref<10000x128xf32, #tpu.memory_space<hbm>>, %arg3: memref<320000xi32, #tpu.memory_space<hbm>>, %arg4: memref<320000xi32, #tpu.memory_space<hbm>>, %arg5: memref<2x10240x128xf32, #tpu.memory_space<hbm>>, %arg6: memref<10240x128xf32, #tpu.memory_space<vmem_shared>>, %arg7: memref<80xi32, #tpu.memory_space<vmem>>, %arg8: memref<80xi32, #tpu.memory_space<vmem>>, %arg9: memref<80x128xf32, #tpu.memory_space<vmem>>, %arg10: memref<128x128xf32, #tpu.memory_space<vmem>>, %arg11: memref<!tpu.dma_semaphore, #tpu.memory_space<semaphore_mem>>) attributes {dimension_semantics = [#tpu.dimension_semantics<core_parallel>, #tpu.dimension_semantics<subcore_parallel>], iteration_bounds = array<i64: 2, 16>, scalar_prefetch = 0 : i64, scratch_operands = 6 : i64, tpu.core_type = #tpu.core_type<sc_vector_subcore>, window_params = [{transform_indices = #map}, {transform_indices = #map1}, {transform_indices = #map1}, {transform_indices = #map2}]} {
    %mul3A = arith.constant 16 : i32
    %mul3A_0 = arith.muli %arg0, %mul3A : i32
    %add3A = arith.addi %mul3A_0, %arg1 : i32
    %broadcast_in_dim3A = arith.constant 0.000000e+00 : f32
    %broadcast_in_dim3A_1 = vector.broadcast %broadcast_in_dim3A : f32 to vector<16xf32>
    %scan3A = arith.constant 0 : i32
    %scan3A_2 = arith.constant 128 : i32
    %scan3A_3 = arith.addi %scan3A, %scan3A_2 : i32
    %scan3A_4 = arith.constant 1 : i32
    scf.for %scan3A_22 = %scan3A to %scan3A_3 step %scan3A_4  : i32 {
      %mul3A_23 = arith.constant 1 : i32
      %mul3A_24 = arith.muli %scan3A_22, %mul3A_23 : i32
      %add3A_25 = arith.constant 0 : i32
      %add3A_26 = arith.addi %add3A_25, %mul3A_24 : i32
      %swap3A = arith.index_cast %add3A_26 : i32 to index
      %swap3A_27 = arith.constant 0 : index
      %swap3A_28 = tpu.vector_load %arg10[%swap3A, %swap3A_27] {strides = array<i32>} : memref<128x128xf32, #tpu.memory_space<vmem>>, vector<16xf32>,
      tpu.vector_store %arg10[%swap3A, %swap3A_27], %broadcast_in_dim3A_1 {strides = array<i32>} : memref<128x128xf32, #tpu.memory_space<vmem>>, vector<16xf32>,
      %swap3A_29 = arith.index_cast %add3A_26 : i32 to index
      %swap3A_30 = arith.constant 16 : index
      %swap3A_31 = tpu.vector_load %arg10[%swap3A_29, %swap3A_30] {strides = array<i32>} : memref<128x128xf32, #tpu.memory_space<vmem>>, vector<16xf32>,
      tpu.vector_store %arg10[%swap3A_29, %swap3A_30], %broadcast_in_dim3A_1 {strides = array<i32>} : memref<128x128xf32, #tpu.memory_space<vmem>>, vector<16xf32>,
      %swap3A_32 = arith.index_cast %add3A_26 : i32 to index
      %swap3A_33 = arith.constant 32 : index
      %swap3A_34 = tpu.vector_load %arg10[%swap3A_32, %swap3A_33] {strides = array<i32>} : memref<128x128xf32, #tpu.memory_space<vmem>>, vector<16xf32>,
      tpu.vector_store %arg10[%swap3A_32, %swap3A_33], %broadcast_in_dim3A_1 {strides = array<i32>} : memref<128x128xf32, #tpu.memory_space<vmem>>, vector<16xf32>,
      %swap3A_35 = arith.index_cast %add3A_26 : i32 to index
      %swap3A_36 = arith.constant 48 : index
      %swap3A_37 = tpu.vector_load %arg10[%swap3A_35, %swap3A_36] {strides = array<i32>} : memref<128x128xf32, #tpu.memory_space<vmem>>, vector<16xf32>,
      tpu.vector_store %arg10[%swap3A_35, %swap3A_36], %broadcast_in_dim3A_1 {strides = array<i32>} : memref<128x128xf32, #tpu.memory_space<vmem>>, vector<16xf32>,
      %swap3A_38 = arith.index_cast %add3A_26 : i32 to index
      %swap3A_39 = arith.constant 64 : index
      %swap3A_40 = tpu.vector_load %arg10[%swap3A_38, %swap3A_39] {strides = array<i32>} : memref<128x128xf32, #tpu.memory_space<vmem>>, vector<16xf32>,
      tpu.vector_store %arg10[%swap3A_38, %swap3A_39], %broadcast_in_dim3A_1 {strides = array<i32>} : memref<128x128xf32, #tpu.memory_space<vmem>>, vector<16xf32>,
      %swap3A_41 = arith.index_cast %add3A_26 : i32 to index
      %swap3A_42 = arith.constant 80 : index
      %swap3A_43 = tpu.vector_load %arg10[%swap3A_41, %swap3A_42] {strides = array<i32>} : memref<128x128xf32, #tpu.memory_space<vmem>>, vector<16xf32>,
      tpu.vector_store %arg10[%swap3A_41, %swap3A_42], %broadcast_in_dim3A_1 {strides = array<i32>} : memref<128x128xf32, #tpu.memory_space<vmem>>, vector<16xf32>,
      %swap3A_44 = arith.index_cast %add3A_26 : i32 to index
      %swap3A_45 = arith.constant 96 : index
      %swap3A_46 = tpu.vector_load %arg10[%swap3A_44, %swap3A_45] {strides = array<i32>} : memref<128x128xf32, #tpu.memory_space<vmem>>, vector<16xf32>,
      tpu.vector_store %arg10[%swap3A_44, %swap3A_45], %broadcast_in_dim3A_1 {strides = array<i32>} : memref<128x128xf32, #tpu.memory_space<vmem>>, vector<16xf32>,
      %swap3A_47 = arith.index_cast %add3A_26 : i32 to index
      %swap3A_48 = arith.constant 112 : index
      %swap3A_49 = tpu.vector_load %arg10[%swap3A_47, %swap3A_48] {strides = array<i32>} : memref<128x128xf32, #tpu.memory_space<vmem>>, vector<16xf32>,
      tpu.vector_store %arg10[%swap3A_47, %swap3A_48], %broadcast_in_dim3A_1 {strides = array<i32>} : memref<128x128xf32, #tpu.memory_space<vmem>>, vector<16xf32>,
    }
    %scan3A_5 = arith.constant 128 : i32
    %scan3A_6 = arith.constant 0 : i32
    %scan3A_7 = arith.constant 5 : i32
    %scan3A_8 = arith.addi %scan3A_6, %scan3A_7 : i32
    %scan3A_9 = arith.constant 1 : i32
    scf.for %scan3A_22 = %scan3A_6 to %scan3A_8 step %scan3A_9  : i32 {
      %mul3A_23 = arith.constant 1 : i32
      %mul3A_24 = arith.muli %scan3A_22, %mul3A_23 : i32
      %add3A_25 = arith.constant 0 : i32
      %add3A_26 = arith.addi %add3A_25, %mul3A_24 : i32
      %mul3A_27 = arith.constant 640 : i32
      %mul3A_28 = arith.muli %arg1, %mul3A_27 : i32
      %mul3A_29 = arith.constant 128 : i32
      %mul3A_30 = arith.muli %add3A_26, %mul3A_29 : i32
      %add3A_31 = arith.addi %mul3A_28, %mul3A_30 : i32
      "tpu.region"() ({
        %run_scoped3A = tpu.sem_alloc : memref<!tpu.dma_semaphore, #tpu.memory_space<semaphore_mem>>
        %dma_start3A = arith.constant 0 : i32
        %dma_start3A_32 = tpu.memref_slice %arg6[%add3A_31, %dma_start3A] : memref<10240x128xf32, #tpu.memory_space<vmem_shared>> -> memref<128x128xf32, #tpu.memory_space<vmem_shared>>
        %dma_start3A_33 = arith.constant 0 : i32
        %dma_start3A_34 = tpu.memref_slice %arg6[%add3A_31, %dma_start3A_33] : memref<10240x128xf32, #tpu.memory_space<vmem_shared>> -> memref<128x128xf32, #tpu.memory_space<vmem_shared>>
        tpu.enqueue_dma source(%arg10 : memref<128x128xf32, #tpu.memory_space<vmem>>) target(%dma_start3A_34 : memref<128x128xf32, #tpu.memory_space<vmem_shared>>) target_semaphore(%run_scoped3A : memref<!tpu.dma_semaphore, #tpu.memory_space<semaphore_mem>>)
        %dma_wait3A = arith.constant 0 : i32
        %dma_wait3A_35 = tpu.memref_slice %arg6[%add3A_31, %dma_wait3A] : memref<10240x128xf32, #tpu.memory_space<vmem_shared>> -> memref<128x128xf32, #tpu.memory_space<vmem_shared>>
        %dma_wait3A_36 = arith.constant 0 : i32
        %dma_wait3A_37 = tpu.memref_slice %arg6[%add3A_31, %dma_wait3A_36] : memref<10240x128xf32, #tpu.memory_space<vmem_shared>> -> memref<128x128xf32, #tpu.memory_space<vmem_shared>>
        tpu.wait_dma2 semaphore(%run_scoped3A : memref<!tpu.dma_semaphore, #tpu.memory_space<semaphore_mem>>) src(%arg10 : memref<128x128xf32, #tpu.memory_space<vmem>>) dst(%dma_wait3A_37 : memref<128x128xf32, #tpu.memory_space<vmem_shared>>)
        tpu.yield
      }) : () -> ()
    }
    %scan3A_10 = arith.constant 5 : i32
    %barrier3A = arith.constant 0 : index
    tpu.barrier barrier_id(%barrier3A)
    %scan3A_11 = arith.constant 0 : i32
    %scan3A_12 = arith.constant 125 : i32
    %scan3A_13 = arith.addi %scan3A_11, %scan3A_12 : i32
    %scan3A_14 = arith.constant 1 : i32
    scf.for %scan3A_22 = %scan3A_11 to %scan3A_13 step %scan3A_14  : i32 {
      %mul3A_23 = arith.constant 1 : i32
      %mul3A_24 = arith.muli %scan3A_22, %mul3A_23 : i32
      %add3A_25 = arith.constant 0 : i32
      %add3A_26 = arith.addi %add3A_25, %mul3A_24 : i32
      %mul3A_27 = arith.constant 10000 : i32
      %mul3A_28 = arith.muli %add3A, %mul3A_27 : i32
      %mul3A_29 = arith.constant 80 : i32
      %mul3A_30 = arith.muli %add3A_26, %mul3A_29 : i32
      %add3A_31 = arith.addi %mul3A_28, %mul3A_30 : i32
      "tpu.region"() ({
        %run_scoped3A = tpu.sem_alloc : memref<!tpu.dma_semaphore, #tpu.memory_space<semaphore_mem>>
        %dma_start3A_36 = tpu.memref_slice %arg3[%add3A_31] : memref<320000xi32, #tpu.memory_space<hbm>> -> memref<80xi32, #tpu.memory_space<hbm>>
        %dma_start3A_37 = tpu.memref_slice %arg3[%add3A_31] : memref<320000xi32, #tpu.memory_space<hbm>> -> memref<80xi32, #tpu.memory_space<hbm>>
        tpu.enqueue_dma source(%dma_start3A_37 : memref<80xi32, #tpu.memory_space<hbm>>) target(%arg7 : memref<80xi32, #tpu.memory_space<vmem>>) target_semaphore(%run_scoped3A : memref<!tpu.dma_semaphore, #tpu.memory_space<semaphore_mem>>)
        %dma_wait3A_38 = tpu.memref_slice %arg3[%add3A_31] : memref<320000xi32, #tpu.memory_space<hbm>> -> memref<80xi32, #tpu.memory_space<hbm>>
        %dma_wait3A_39 = tpu.memref_slice %arg3[%add3A_31] : memref<320000xi32, #tpu.memory_space<hbm>> -> memref<80xi32, #tpu.memory_space<hbm>>
        tpu.wait_dma2 semaphore(%run_scoped3A : memref<!tpu.dma_semaphore, #tpu.memory_space<semaphore_mem>>) src(%dma_wait3A_39 : memref<80xi32, #tpu.memory_space<hbm>>) dst(%arg7 : memref<80xi32, #tpu.memory_space<vmem>>)
        tpu.yield
      }) : () -> ()
      "tpu.region"() ({
        %run_scoped3A = tpu.sem_alloc : memref<!tpu.dma_semaphore, #tpu.memory_space<semaphore_mem>>
        %dma_start3A_36 = tpu.memref_slice %arg4[%add3A_31] : memref<320000xi32, #tpu.memory_space<hbm>> -> memref<80xi32, #tpu.memory_space<hbm>>
        %dma_start3A_37 = tpu.memref_slice %arg4[%add3A_31] : memref<320000xi32, #tpu.memory_space<hbm>> -> memref<80xi32, #tpu.memory_space<hbm>>
        tpu.enqueue_dma source(%dma_start3A_37 : memref<80xi32, #tpu.memory_space<hbm>>) target(%arg8 : memref<80xi32, #tpu.memory_space<vmem>>) target_semaphore(%run_scoped3A : memref<!tpu.dma_semaphore, #tpu.memory_space<semaphore_mem>>)
        %dma_wait3A_38 = tpu.memref_slice %arg4[%add3A_31] : memref<320000xi32, #tpu.memory_space<hbm>> -> memref<80xi32, #tpu.memory_space<hbm>>
        %dma_wait3A_39 = tpu.memref_slice %arg4[%add3A_31] : memref<320000xi32, #tpu.memory_space<hbm>> -> memref<80xi32, #tpu.memory_space<hbm>>
        tpu.wait_dma2 semaphore(%run_scoped3A : memref<!tpu.dma_semaphore, #tpu.memory_space<semaphore_mem>>) src(%dma_wait3A_39 : memref<80xi32, #tpu.memory_space<hbm>>) dst(%arg8 : memref<80xi32, #tpu.memory_space<vmem>>)
        tpu.yield
      }) : () -> ()
      %dma_start3A = arith.constant 0 : i32
      %dma_start3A_32 = arith.constant 0 : i32
      %dma_start3A_33 = tpu.memref_slice %arg2[%dma_start3A, %dma_start3A_32] : memref<10000x128xf32, #tpu.memory_space<hbm>> -> memref<10000x128xf32, #tpu.memory_space<hbm>>
      tpu.enqueue_indirect_dma source(%dma_start3A_33 : memref<10000x128xf32, #tpu.memory_space<hbm>>) target(%arg9 : memref<80x128xf32, #tpu.memory_space<vmem>>) offsets(%arg7 : memref<80xi32, #tpu.memory_space<vmem>>) semaphore(%arg11 : memref<!tpu.dma_semaphore, #tpu.memory_space<semaphore_mem>>)
      %dma_wait3A = arith.constant 0 : i32
      %dma_wait3A_34 = arith.constant 0 : i32
      %dma_wait3A_35 = tpu.memref_slice %arg2[%dma_wait3A, %dma_wait3A_34] : memref<10000x128xf32, #tpu.memory_space<hbm>> -> memref<10000x128xf32, #tpu.memory_space<hbm>>
      tpu.wait_indirect_dma semaphore(%arg11 : memref<!tpu.dma_semaphore, #tpu.memory_space<semaphore_mem>>) src(%dma_wait3A_35 : memref<10000x128xf32, #tpu.memory_space<hbm>>) dst(%arg9 : memref<80x128xf32, #tpu.memory_space<vmem>>)
      "tpu.region"() ({
        %run_scoped3A = tpu.sem_alloc : memref<!tpu.dma_semaphore, #tpu.memory_space<semaphore_mem>>
        %dma_start3A_36 = arith.constant 0 : i32
        %dma_start3A_37 = arith.constant 0 : i32
        %dma_start3A_38 = tpu.memref_slice %arg6[%dma_start3A_36, %dma_start3A_37] : memref<10240x128xf32, #tpu.memory_space<vmem_shared>> -> memref<10240x128xf32, #tpu.memory_space<vmem_shared>>
        tpu.enqueue_indirect_dma source(%arg9 : memref<80x128xf32, #tpu.memory_space<vmem>>) target(%dma_start3A_38 : memref<10240x128xf32, #tpu.memory_space<vmem_shared>>) offsets(%arg8 : memref<80xi32, #tpu.memory_space<vmem>>) semaphore(%run_scoped3A : memref<!tpu.dma_semaphore, #tpu.memory_space<semaphore_mem>>) {add = true}
        %dma_wait3A_39 = arith.constant 0 : i32
        %dma_wait3A_40 = arith.constant 0 : i32
        %dma_wait3A_41 = tpu.memref_slice %arg6[%dma_wait3A_39, %dma_wait3A_40] : memref<10240x128xf32, #tpu.memory_space<vmem_shared>> -> memref<10240x128xf32, #tpu.memory_space<vmem_shared>>
        tpu.wait_indirect_dma semaphore(%run_scoped3A : memref<!tpu.dma_semaphore, #tpu.memory_space<semaphore_mem>>) src(%arg9 : memref<80x128xf32, #tpu.memory_space<vmem>>) dst(%dma_wait3A_41 : memref<10240x128xf32, #tpu.memory_space<vmem_shared>>)
        tpu.yield
      }) : () -> ()
    }
    %scan3A_15 = arith.constant 125 : i32
    %barrier3A_16 = arith.constant 0 : index
    tpu.barrier barrier_id(%barrier3A_16)
    %scan3A_17 = arith.constant 0 : i32
    %scan3A_18 = arith.constant 5 : i32
    %scan3A_19 = arith.addi %scan3A_17, %scan3A_18 : i32
    %scan3A_20 = arith.constant 1 : i32
    scf.for %scan3A_22 = %scan3A_17 to %scan3A_19 step %scan3A_20  : i32 {
      %mul3A_23 = arith.constant 1 : i32
      %mul3A_24 = arith.muli %scan3A_22, %mul3A_23 : i32
      %add3A_25 = arith.constant 0 : i32
      %add3A_26 = arith.addi %add3A_25, %mul3A_24 : i32
      %mul3A_27 = arith.constant 640 : i32
      %mul3A_28 = arith.muli %arg1, %mul3A_27 : i32
      %mul3A_29 = arith.constant 128 : i32
      %mul3A_30 = arith.muli %add3A_26, %mul3A_29 : i32
      %add3A_31 = arith.addi %mul3A_28, %mul3A_30 : i32
      "tpu.region"() ({
        %run_scoped3A = tpu.sem_alloc : memref<!tpu.dma_semaphore, #tpu.memory_space<semaphore_mem>>
        %dma_start3A = arith.constant 0 : i32
        %dma_start3A_32 = tpu.memref_slice %arg5[%arg0, %add3A_31, %dma_start3A] : memref<2x10240x128xf32, #tpu.memory_space<hbm>> -> memref<1x128x128xf32, #tpu.memory_space<hbm>>
        %dma_start3A_33 = tpu.memref_squeeze %dma_start3A_32 : memref<1x128x128xf32, #tpu.memory_space<hbm>> -> memref<128x128xf32, #tpu.memory_space<hbm>>
        %dma_start3A_34 = arith.constant 0 : i32
        %dma_start3A_35 = tpu.memref_slice %arg6[%add3A_31, %dma_start3A_34] : memref<10240x128xf32, #tpu.memory_space<vmem_shared>> -> memref<128x128xf32, #tpu.memory_space<vmem_shared>>
        tpu.enqueue_dma source(%dma_start3A_35 : memref<128x128xf32, #tpu.memory_space<vmem_shared>>) target(%dma_start3A_33 : memref<128x128xf32, #tpu.memory_space<hbm>>) target_semaphore(%run_scoped3A : memref<!tpu.dma_semaphore, #tpu.memory_space<semaphore_mem>>)
        %dma_wait3A = arith.constant 0 : i32
        %dma_wait3A_36 = tpu.memref_slice %arg5[%arg0, %add3A_31, %dma_wait3A] : memref<2x10240x128xf32, #tpu.memory_space<hbm>> -> memref<1x128x128xf32, #tpu.memory_space<hbm>>
        %dma_wait3A_37 = tpu.memref_squeeze %dma_wait3A_36 : memref<1x128x128xf32, #tpu.memory_space<hbm>> -> memref<128x128xf32, #tpu.memory_space<hbm>>
        %dma_wait3A_38 = arith.constant 0 : i32
        %dma_wait3A_39 = tpu.memref_slice %arg6[%add3A_31, %dma_wait3A_38] : memref<10240x128xf32, #tpu.memory_space<vmem_shared>> -> memref<128x128xf32, #tpu.memory_space<vmem_shared>>
        tpu.wait_dma2 semaphore(%run_scoped3A : memref<!tpu.dma_semaphore, #tpu.memory_space<semaphore_mem>>) src(%dma_wait3A_39 : memref<128x128xf32, #tpu.memory_space<vmem_shared>>) dst(%dma_wait3A_37 : memref<128x128xf32, #tpu.memory_space<hbm>>)
        tpu.yield
      }) : () -> ()
    }
    %scan3A_21 = arith.constant 5 : i32
    return
  }
}

#map = affine_map<(d0, d1) -> (0, 0)>
#map1 = affine_map<(d0, d1) -> (0)>
#map2 = affine_map<(d0, d1) -> (0, 0, 0)>
module attributes {stable_mosaic.version = 14 : i64} {
  func.func @_sc_scatter_body(%arg0: i32, %arg1: i32, %arg2: memref<10000x128xf32, #tpu.memory_space<hbm>>, %arg3: memref<320000xi32, #tpu.memory_space<hbm>>, %arg4: memref<320000xi32, #tpu.memory_space<hbm>>, %arg5: memref<2x10240x128xf32, #tpu.memory_space<hbm>>, %arg6: memref<10240x128xf32, #tpu.memory_space<vmem_shared>>, %arg7: memref<80xi32, #tpu.memory_space<vmem>>, %arg8: memref<80xi32, #tpu.memory_space<vmem>>, %arg9: memref<80x128xf32, #tpu.memory_space<vmem>>, %arg10: memref<128x128xf32, #tpu.memory_space<vmem>>, %arg11: memref<!tpu.dma_semaphore, #tpu.memory_space<semaphore_mem>>) attributes {dimension_semantics = [#tpu.dimension_semantics<core_parallel>, #tpu.dimension_semantics<subcore_parallel>], iteration_bounds = array<i64: 2, 16>, scalar_prefetch = 0 : i64, scratch_operands = 6 : i64, tpu.core_type = #tpu.core_type<sc_vector_subcore>, window_params = [{transform_indices = #map}, {transform_indices = #map1}, {transform_indices = #map1}, {transform_indices = #map2}]} {
    %mul3A = arith.constant 16 : i32
    %mul3A_0 = arith.muli %arg0, %mul3A : i32
    %add3A = arith.addi %mul3A_0, %arg1 : i32
    %broadcast_in_dim3A = arith.constant 0.000000e+00 : f32
    %broadcast_in_dim3A_1 = vector.broadcast %broadcast_in_dim3A : f32 to vector<16xf32>
    %scan3A = arith.constant 0 : i32
    %scan3A_2 = arith.constant 128 : i32
    %scan3A_3 = arith.addi %scan3A, %scan3A_2 : i32
    %scan3A_4 = arith.constant 1 : i32
    scf.for %scan3A_22 = %scan3A to %scan3A_3 step %scan3A_4  : i32 {
      %mul3A_23 = arith.constant 1 : i32
      %mul3A_24 = arith.muli %scan3A_22, %mul3A_23 : i32
      %add3A_25 = arith.constant 0 : i32
      %add3A_26 = arith.addi %add3A_25, %mul3A_24 : i32
      %swap3A = arith.index_cast %add3A_26 : i32 to index
      %swap3A_27 = arith.constant 0 : index
      %swap3A_28 = tpu.vector_load %arg10[%swap3A, %swap3A_27] {strides = array<i32>} : memref<128x128xf32, #tpu.memory_space<vmem>>, vector<16xf32>,
      tpu.vector_store %arg10[%swap3A, %swap3A_27], %broadcast_in_dim3A_1 {strides = array<i32>} : memref<128x128xf32, #tpu.memory_space<vmem>>, vector<16xf32>,
      %swap3A_29 = arith.index_cast %add3A_26 : i32 to index
      %swap3A_30 = arith.constant 16 : index
      %swap3A_31 = tpu.vector_load %arg10[%swap3A_29, %swap3A_30] {strides = array<i32>} : memref<128x128xf32, #tpu.memory_space<vmem>>, vector<16xf32>,
      tpu.vector_store %arg10[%swap3A_29, %swap3A_30], %broadcast_in_dim3A_1 {strides = array<i32>} : memref<128x128xf32, #tpu.memory_space<vmem>>, vector<16xf32>,
      %swap3A_32 = arith.index_cast %add3A_26 : i32 to index
      %swap3A_33 = arith.constant 32 : index
      %swap3A_34 = tpu.vector_load %arg10[%swap3A_32, %swap3A_33] {strides = array<i32>} : memref<128x128xf32, #tpu.memory_space<vmem>>, vector<16xf32>,
      tpu.vector_store %arg10[%swap3A_32, %swap3A_33], %broadcast_in_dim3A_1 {strides = array<i32>} : memref<128x128xf32, #tpu.memory_space<vmem>>, vector<16xf32>,
      %swap3A_35 = arith.index_cast %add3A_26 : i32 to index
      %swap3A_36 = arith.constant 48 : index
      %swap3A_37 = tpu.vector_load %arg10[%swap3A_35, %swap3A_36] {strides = array<i32>} : memref<128x128xf32, #tpu.memory_space<vmem>>, vector<16xf32>,
      tpu.vector_store %arg10[%swap3A_35, %swap3A_36], %broadcast_in_dim3A_1 {strides = array<i32>} : memref<128x128xf32, #tpu.memory_space<vmem>>, vector<16xf32>,
      %swap3A_38 = arith.index_cast %add3A_26 : i32 to index
      %swap3A_39 = arith.constant 64 : index
      %swap3A_40 = tpu.vector_load %arg10[%swap3A_38, %swap3A_39] {strides = array<i32>} : memref<128x128xf32, #tpu.memory_space<vmem>>, vector<16xf32>,
      tpu.vector_store %arg10[%swap3A_38, %swap3A_39], %broadcast_in_dim3A_1 {strides = array<i32>} : memref<128x128xf32, #tpu.memory_space<vmem>>, vector<16xf32>,
      %swap3A_41 = arith.index_cast %add3A_26 : i32 to index
      %swap3A_42 = arith.constant 80 : index
      %swap3A_43 = tpu.vector_load %arg10[%swap3A_41, %swap3A_42] {strides = array<i32>} : memref<128x128xf32, #tpu.memory_space<vmem>>, vector<16xf32>,
      tpu.vector_store %arg10[%swap3A_41, %swap3A_42], %broadcast_in_dim3A_1 {strides = array<i32>} : memref<128x128xf32, #tpu.memory_space<vmem>>, vector<16xf32>,
      %swap3A_44 = arith.index_cast %add3A_26 : i32 to index
      %swap3A_45 = arith.constant 96 : index
      %swap3A_46 = tpu.vector_load %arg10[%swap3A_44, %swap3A_45] {strides = array<i32>} : memref<128x128xf32, #tpu.memory_space<vmem>>, vector<16xf32>,
      tpu.vector_store %arg10[%swap3A_44, %swap3A_45], %broadcast_in_dim3A_1 {strides = array<i32>} : memref<128x128xf32, #tpu.memory_space<vmem>>, vector<16xf32>,
      %swap3A_47 = arith.index_cast %add3A_26 : i32 to index
      %swap3A_48 = arith.constant 112 : index
      %swap3A_49 = tpu.vector_load %arg10[%swap3A_47, %swap3A_48] {strides = array<i32>} : memref<128x128xf32, #tpu.memory_space<vmem>>, vector<16xf32>,
      tpu.vector_store %arg10[%swap3A_47, %swap3A_48], %broadcast_in_dim3A_1 {strides = array<i32>} : memref<128x128xf32, #tpu.memory_space<vmem>>, vector<16xf32>,
    }
    %scan3A_5 = arith.constant 128 : i32
    %scan3A_6 = arith.constant 0 : i32
    %scan3A_7 = arith.constant 5 : i32
    %scan3A_8 = arith.addi %scan3A_6, %scan3A_7 : i32
    %scan3A_9 = arith.constant 1 : i32
    scf.for %scan3A_22 = %scan3A_6 to %scan3A_8 step %scan3A_9  : i32 {
      %mul3A_23 = arith.constant 1 : i32
      %mul3A_24 = arith.muli %scan3A_22, %mul3A_23 : i32
      %add3A_25 = arith.constant 0 : i32
      %add3A_26 = arith.addi %add3A_25, %mul3A_24 : i32
      %mul3A_27 = arith.constant 640 : i32
      %mul3A_28 = arith.muli %arg1, %mul3A_27 : i32
      %mul3A_29 = arith.constant 128 : i32
      %mul3A_30 = arith.muli %add3A_26, %mul3A_29 : i32
      %add3A_31 = arith.addi %mul3A_28, %mul3A_30 : i32
      "tpu.region"() ({
        %run_scoped3A = tpu.sem_alloc : memref<!tpu.dma_semaphore, #tpu.memory_space<semaphore_mem>>
        %dma_start3A = arith.constant 0 : i32
        %dma_start3A_32 = tpu.memref_slice %arg6[%add3A_31, %dma_start3A] : memref<10240x128xf32, #tpu.memory_space<vmem_shared>> -> memref<128x128xf32, #tpu.memory_space<vmem_shared>>
        %dma_start3A_33 = arith.constant 0 : i32
        %dma_start3A_34 = tpu.memref_slice %arg6[%add3A_31, %dma_start3A_33] : memref<10240x128xf32, #tpu.memory_space<vmem_shared>> -> memref<128x128xf32, #tpu.memory_space<vmem_shared>>
        tpu.enqueue_dma source(%arg10 : memref<128x128xf32, #tpu.memory_space<vmem>>) target(%dma_start3A_34 : memref<128x128xf32, #tpu.memory_space<vmem_shared>>) target_semaphore(%run_scoped3A : memref<!tpu.dma_semaphore, #tpu.memory_space<semaphore_mem>>)
        %dma_wait3A = arith.constant 0 : i32
        %dma_wait3A_35 = tpu.memref_slice %arg6[%add3A_31, %dma_wait3A] : memref<10240x128xf32, #tpu.memory_space<vmem_shared>> -> memref<128x128xf32, #tpu.memory_space<vmem_shared>>
        %dma_wait3A_36 = arith.constant 0 : i32
        %dma_wait3A_37 = tpu.memref_slice %arg6[%add3A_31, %dma_wait3A_36] : memref<10240x128xf32, #tpu.memory_space<vmem_shared>> -> memref<128x128xf32, #tpu.memory_space<vmem_shared>>
        tpu.wait_dma2 semaphore(%run_scoped3A : memref<!tpu.dma_semaphore, #tpu.memory_space<semaphore_mem>>) src(%arg10 : memref<128x128xf32, #tpu.memory_space<vmem>>) dst(%dma_wait3A_37 : memref<128x128xf32, #tpu.memory_space<vmem_shared>>)
        tpu.yield
      }) : () -> ()
    }
    %scan3A_10 = arith.constant 5 : i32
    %barrier3A = arith.constant 0 : index
    tpu.barrier barrier_id(%barrier3A)
    %scan3A_11 = arith.constant 0 : i32
    %scan3A_12 = arith.constant 125 : i32
    %scan3A_13 = arith.addi %scan3A_11, %scan3A_12 : i32
    %scan3A_14 = arith.constant 1 : i32
    scf.for %scan3A_22 = %scan3A_11 to %scan3A_13 step %scan3A_14  : i32 {
      %mul3A_23 = arith.constant 1 : i32
      %mul3A_24 = arith.muli %scan3A_22, %mul3A_23 : i32
      %add3A_25 = arith.constant 0 : i32
      %add3A_26 = arith.addi %add3A_25, %mul3A_24 : i32
      %mul3A_27 = arith.constant 10000 : i32
      %mul3A_28 = arith.muli %add3A, %mul3A_27 : i32
      %mul3A_29 = arith.constant 80 : i32
      %mul3A_30 = arith.muli %add3A_26, %mul3A_29 : i32
      %add3A_31 = arith.addi %mul3A_28, %mul3A_30 : i32
      "tpu.region"() ({
        %run_scoped3A = tpu.sem_alloc : memref<!tpu.dma_semaphore, #tpu.memory_space<semaphore_mem>>
        %dma_start3A_36 = tpu.memref_slice %arg3[%add3A_31] : memref<320000xi32, #tpu.memory_space<hbm>> -> memref<80xi32, #tpu.memory_space<hbm>>
        %dma_start3A_37 = tpu.memref_slice %arg3[%add3A_31] : memref<320000xi32, #tpu.memory_space<hbm>> -> memref<80xi32, #tpu.memory_space<hbm>>
        tpu.enqueue_dma source(%dma_start3A_37 : memref<80xi32, #tpu.memory_space<hbm>>) target(%arg7 : memref<80xi32, #tpu.memory_space<vmem>>) target_semaphore(%run_scoped3A : memref<!tpu.dma_semaphore, #tpu.memory_space<semaphore_mem>>)
        %dma_wait3A_38 = tpu.memref_slice %arg3[%add3A_31] : memref<320000xi32, #tpu.memory_space<hbm>> -> memref<80xi32, #tpu.memory_space<hbm>>
        %dma_wait3A_39 = tpu.memref_slice %arg3[%add3A_31] : memref<320000xi32, #tpu.memory_space<hbm>> -> memref<80xi32, #tpu.memory_space<hbm>>
        tpu.wait_dma2 semaphore(%run_scoped3A : memref<!tpu.dma_semaphore, #tpu.memory_space<semaphore_mem>>) src(%dma_wait3A_39 : memref<80xi32, #tpu.memory_space<hbm>>) dst(%arg7 : memref<80xi32, #tpu.memory_space<vmem>>)
        tpu.yield
      }) : () -> ()
      "tpu.region"() ({
        %run_scoped3A = tpu.sem_alloc : memref<!tpu.dma_semaphore, #tpu.memory_space<semaphore_mem>>
        %dma_start3A_36 = tpu.memref_slice %arg4[%add3A_31] : memref<320000xi32, #tpu.memory_space<hbm>> -> memref<80xi32, #tpu.memory_space<hbm>>
        %dma_start3A_37 = tpu.memref_slice %arg4[%add3A_31] : memref<320000xi32, #tpu.memory_space<hbm>> -> memref<80xi32, #tpu.memory_space<hbm>>
        tpu.enqueue_dma source(%dma_start3A_37 : memref<80xi32, #tpu.memory_space<hbm>>) target(%arg8 : memref<80xi32, #tpu.memory_space<vmem>>) target_semaphore(%run_scoped3A : memref<!tpu.dma_semaphore, #tpu.memory_space<semaphore_mem>>)
        %dma_wait3A_38 = tpu.memref_slice %arg4[%add3A_31] : memref<320000xi32, #tpu.memory_space<hbm>> -> memref<80xi32, #tpu.memory_space<hbm>>
        %dma_wait3A_39 = tpu.memref_slice %arg4[%add3A_31] : memref<320000xi32, #tpu.memory_space<hbm>> -> memref<80xi32, #tpu.memory_space<hbm>>
        tpu.wait_dma2 semaphore(%run_scoped3A : memref<!tpu.dma_semaphore, #tpu.memory_space<semaphore_mem>>) src(%dma_wait3A_39 : memref<80xi32, #tpu.memory_space<hbm>>) dst(%arg8 : memref<80xi32, #tpu.memory_space<vmem>>)
        tpu.yield
      }) : () -> ()
      %dma_start3A = arith.constant 0 : i32
      %dma_start3A_32 = arith.constant 0 : i32
      %dma_start3A_33 = tpu.memref_slice %arg2[%dma_start3A, %dma_start3A_32] : memref<10000x128xf32, #tpu.memory_space<hbm>> -> memref<10000x128xf32, #tpu.memory_space<hbm>>
      tpu.enqueue_indirect_dma source(%dma_start3A_33 : memref<10000x128xf32, #tpu.memory_space<hbm>>) target(%arg9 : memref<80x128xf32, #tpu.memory_space<vmem>>) offsets(%arg7 : memref<80xi32, #tpu.memory_space<vmem>>) semaphore(%arg11 : memref<!tpu.dma_semaphore, #tpu.memory_space<semaphore_mem>>)
      %dma_wait3A = arith.constant 0 : i32
      %dma_wait3A_34 = arith.constant 0 : i32
      %dma_wait3A_35 = tpu.memref_slice %arg2[%dma_wait3A, %dma_wait3A_34] : memref<10000x128xf32, #tpu.memory_space<hbm>> -> memref<10000x128xf32, #tpu.memory_space<hbm>>
      tpu.wait_indirect_dma semaphore(%arg11 : memref<!tpu.dma_semaphore, #tpu.memory_space<semaphore_mem>>) src(%dma_wait3A_35 : memref<10000x128xf32, #tpu.memory_space<hbm>>) dst(%arg9 : memref<80x128xf32, #tpu.memory_space<vmem>>)
      "tpu.region"() ({
        %run_scoped3A = tpu.sem_alloc : memref<!tpu.dma_semaphore, #tpu.memory_space<semaphore_mem>>
        %dma_start3A_36 = arith.constant 0 : i32
        %dma_start3A_37 = arith.constant 0 : i32
        %dma_start3A_38 = tpu.memref_slice %arg6[%dma_start3A_36, %dma_start3A_37] : memref<10240x128xf32, #tpu.memory_space<vmem_shared>> -> memref<10240x128xf32, #tpu.memory_space<vmem_shared>>
        tpu.enqueue_indirect_dma source(%arg9 : memref<80x128xf32, #tpu.memory_space<vmem>>) target(%dma_start3A_38 : memref<10240x128xf32, #tpu.memory_space<vmem_shared>>) offsets(%arg8 : memref<80xi32, #tpu.memory_space<vmem>>) semaphore(%run_scoped3A : memref<!tpu.dma_semaphore, #tpu.memory_space<semaphore_mem>>) {add = true}
        %dma_wait3A_39 = arith.constant 0 : i32
        %dma_wait3A_40 = arith.constant 0 : i32
        %dma_wait3A_41 = tpu.memref_slice %arg6[%dma_wait3A_39, %dma_wait3A_40] : memref<10240x128xf32, #tpu.memory_space<vmem_shared>> -> memref<10240x128xf32, #tpu.memory_space<vmem_shared>>
        tpu.wait_indirect_dma semaphore(%run_scoped3A : memref<!tpu.dma_semaphore, #tpu.memory_space<semaphore_mem>>) src(%arg9 : memref<80x128xf32, #tpu.memory_space<vmem>>) dst(%dma_wait3A_41 : memref<10240x128xf32, #tpu.memory_space<vmem_shared>>)
        tpu.yield
      }) : () -> ()
    }
    %scan3A_15 = arith.constant 125 : i32
    %barrier3A_16 = arith.constant 0 : index
    tpu.barrier barrier_id(%barrier3A_16)
    %scan3A_17 = arith.constant 0 : i32
    %scan3A_18 = arith.constant 5 : i32
    %scan3A_19 = arith.addi %scan3A_17, %scan3A_18 : i32
    %scan3A_20 = arith.constant 1 : i32
    scf.for %scan3A_22 = %scan3A_17 to %scan3A_19 step %scan3A_20  : i32 {
      %mul3A_23 = arith.constant 1 : i32
      %mul3A_24 = arith.muli %scan3A_22, %mul3A_23 : i32
      %add3A_25 = arith.constant 0 : i32
      %add3A_26 = arith.addi %add3A_25, %mul3A_24 : i32
      %mul3A_27 = arith.constant 640 : i32
      %mul3A_28 = arith.muli %arg1, %mul3A_27 : i32
      %mul3A_29 = arith.constant 128 : i32
      %mul3A_30 = arith.muli %add3A_26, %mul3A_29 : i32
      %add3A_31 = arith.addi %mul3A_28, %mul3A_30 : i32
      "tpu.region"() ({
        %run_scoped3A = tpu.sem_alloc : memref<!tpu.dma_semaphore, #tpu.memory_space<semaphore_mem>>
        %dma_start3A = arith.constant 0 : i32
        %dma_start3A_32 = tpu.memref_slice %arg5[%arg0, %add3A_31, %dma_start3A] : memref<2x10240x128xf32, #tpu.memory_space<hbm>> -> memref<1x128x128xf32, #tpu.memory_space<hbm>>
        %dma_start3A_33 = tpu.memref_squeeze %dma_start3A_32 : memref<1x128x128xf32, #tpu.memory_space<hbm>> -> memref<128x128xf32, #tpu.memory_space<hbm>>
        %dma_start3A_34 = arith.constant 0 : i32
        %dma_start3A_35 = tpu.memref_slice %arg6[%add3A_31, %dma_start3A_34] : memref<10240x128xf32, #tpu.memory_space<vmem_shared>> -> memref<128x128xf32, #tpu.memory_space<vmem_shared>>
        tpu.enqueue_dma source(%dma_start3A_35 : memref<128x128xf32, #tpu.memory_space<vmem_shared>>) target(%dma_start3A_33 : memref<128x128xf32, #tpu.memory_space<hbm>>) target_semaphore(%run_scoped3A : memref<!tpu.dma_semaphore, #tpu.memory_space<semaphore_mem>>)
        %dma_wait3A = arith.constant 0 : i32
        %dma_wait3A_36 = tpu.memref_slice %arg5[%arg0, %add3A_31, %dma_wait3A] : memref<2x10240x128xf32, #tpu.memory_space<hbm>> -> memref<1x128x128xf32, #tpu.memory_space<hbm>>
        %dma_wait3A_37 = tpu.memref_squeeze %dma_wait3A_36 : memref<1x128x128xf32, #tpu.memory_space<hbm>> -> memref<128x128xf32, #tpu.memory_space<hbm>>
        %dma_wait3A_38 = arith.constant 0 : i32
        %dma_wait3A_39 = tpu.memref_slice %arg6[%add3A_31, %dma_wait3A_38] : memref<10240x128xf32, #tpu.memory_space<vmem_shared>> -> memref<128x128xf32, #tpu.memory_space<vmem_shared>>
        tpu.wait_dma2 semaphore(%run_scoped3A : memref<!tpu.dma_semaphore, #tpu.memory_space<semaphore_mem>>) src(%dma_wait3A_39 : memref<128x128xf32, #tpu.memory_space<vmem_shared>>) dst(%dma_wait3A_37 : memref<128x128xf32, #tpu.memory_space<hbm>>)
        tpu.yield
      }) : () -> ()
    }
    %scan3A_21 = arith.constant 5 : i32
    return
  }
}

module attributes {stable_mosaic.version = 14 : i64} {
  func.func @_tc0_body(%arg0: i32, %arg1: memref<32x4x16x640xf32, #tpu.memory_space<vmem>>, %arg2: memref<4x640xf32, #tpu.memory_space<vmem>>) attributes {dimension_semantics = [#tpu.dimension_semantics<arbitrary>], iteration_bounds = array<i64: 8>, scalar_prefetch = 0 : i64, scratch_operands = 0 : i64, tpu.core_type = #tpu.core_type<tc>, window_params = [{transform_indices = @transform_0, window_bounds = array<i64: 32, 4, 16, 640>}, {transform_indices = @transform_1, window_bounds = array<i64: 4, 640>}]} {
    %get3A = arith.constant 0 : index
    %get3A_0 = arith.constant 0 : index
    %get3A_1 = arith.constant 0 : index
    %get3A_2 = arith.constant 0 : index
    %get3A_3 = vector.load %arg1[%get3A, %get3A_0, %get3A_1, %get3A_2] : memref<32x4x16x640xf32, #tpu.memory_space<vmem>>, vector<32x4x16x640xf32>
    %reduce_sum3A = arith.constant dense<0.000000e+00> : vector<4x640xf32>
    %reduce_sum3A_4 = vector.multi_reduction <add>, %get3A_3, %reduce_sum3A [0, 2] : vector<32x4x16x640xf32> to vector<4x640xf32>
    %swap3A = arith.constant 0 : index
    %swap3A_5 = arith.constant 0 : index
    %swap3A_6 = vector.load %arg2[%swap3A, %swap3A_5] : memref<4x640xf32, #tpu.memory_space<vmem>>, vector<4x640xf32>
    tpu.vector_store %arg2[%swap3A, %swap3A_5], %reduce_sum3A_4 {strides = array<i32>} : memref<4x640xf32, #tpu.memory_space<vmem>>, vector<4x640xf32>,
    return
  }
  func.func @transform_0(%arg0: i32) -> (i32, i32, i32, i32) {
    %c0_i32 = arith.constant 0 : i32
    %c0_i32_0 = arith.constant 0 : i32
    %c0_i32_1 = arith.constant 0 : i32
    %c0_i32_2 = arith.constant 0 : i32
    return %c0_i32, %c0_i32_0, %c0_i32_1, %arg0 : i32, i32, i32, i32
  }
  func.func @transform_1(%arg0: i32) -> (i32, i32) {
    %c0_i32 = arith.constant 0 : i32
    %c0_i32_0 = arith.constant 0 : i32
    return %c0_i32, %arg0 : i32, i32
  }
}

module attributes {stable_mosaic.version = 14 : i64} {
  func.func @_tc1_body(%arg0: i32, %arg1: memref<1000x128xf32, #tpu.memory_space<vmem>>, %arg2: memref<128x128xf32, #tpu.memory_space<vmem>>, %arg3: memref<1000x1xf32, #tpu.memory_space<vmem>>, %arg4: memref<1000x1xf32, #tpu.memory_space<vmem>>, %arg5: memref<1000x128xf32, #tpu.memory_space<vmem>>, %arg6: memref<1000x1xf32, #tpu.memory_space<vmem>>, %arg7: memref<1000x1xf32, #tpu.memory_space<vmem>>) attributes {dimension_semantics = [#tpu.dimension_semantics<arbitrary>], iteration_bounds = array<i64: 10>, scalar_prefetch = 0 : i64, scratch_operands = 0 : i64, tpu.core_type = #tpu.core_type<tc>, window_params = [{transform_indices = @transform_0, window_bounds = array<i64: 1000, 128>}, {pipeline_mode = #tpu.pipeline_mode<synchronous>, transform_indices = @transform_1, window_bounds = array<i64: 128, 128>}, {transform_indices = @transform_2, window_bounds = array<i64: 1000, 1>}, {transform_indices = @transform_3, window_bounds = array<i64: 1000, 1>}, {transform_indices = @transform_4, window_bounds = array<i64: 1000, 128>}, {transform_indices = @transform_5, window_bounds = array<i64: 1000, 1>}, {transform_indices = @transform_6, window_bounds = array<i64: 1000, 1>}]} {
    %get3A = arith.constant 0 : index
    %get3A_0 = arith.constant 0 : index
    %get3A_1 = vector.load %arg3[%get3A, %get3A_0] : memref<1000x1xf32, #tpu.memory_space<vmem>>, vector<1000x1xf32>
    %max3A = arith.constant 1.000000e+00 : f32
    %max3A_2 = vector.broadcast %max3A : f32 to vector<1000x1xf32>
    %max3A_3 = arith.maximumf %get3A_1, %max3A_2 : vector<1000x1xf32>
    %rsqrt3A = math.rsqrt %max3A_3 : vector<1000x1xf32>
    %get3A_4 = arith.constant 0 : index
    %get3A_5 = arith.constant 0 : index
    %get3A_6 = vector.load %arg4[%get3A_4, %get3A_5] : memref<1000x1xf32, #tpu.memory_space<vmem>>, vector<1000x1xf32>
    %max3A_7 = arith.constant 1.000000e+00 : f32
    %max3A_8 = vector.broadcast %max3A_7 : f32 to vector<1000x1xf32>
    %max3A_9 = arith.maximumf %get3A_6, %max3A_8 : vector<1000x1xf32>
    %rsqrt3A_10 = math.rsqrt %max3A_9 : vector<1000x1xf32>
    %get3A_11 = arith.constant 0 : index
    %get3A_12 = arith.constant 0 : index
    %get3A_13 = vector.load %arg1[%get3A_11, %get3A_12] : memref<1000x128xf32, #tpu.memory_space<vmem>>, vector<1000x128xf32>
    %mul3A = vector.broadcast %rsqrt3A : vector<1000x1xf32> to vector<1000x128xf32>
    %mul3A_14 = arith.mulf %get3A_13, %mul3A : vector<1000x128xf32>
    %get3A_15 = arith.constant 0 : index
    %get3A_16 = arith.constant 0 : index
    %get3A_17 = vector.load %arg2[%get3A_15, %get3A_16] : memref<128x128xf32, #tpu.memory_space<vmem>>, vector<128x128xf32>
    %dot_general3A = arith.constant dense<0.000000e+00> : vector<1000x128xf32>
    %dot_general3A_18 = tpu.matmul %mul3A_14, %get3A_17, %dot_general3A {dimension_numbers = #tpu.dot_dimension_numbers<[1], [0], [0], [1], [0, 0, 1, 1], [], []>, transpose_lhs_hint = false} : vector<1000x128xf32>, vector<128x128xf32>, vector<1000x128xf32> -> vector<1000x128xf32>
    %swap3A = arith.constant 0 : index
    %swap3A_19 = arith.constant 0 : index
    %swap3A_20 = vector.load %arg5[%swap3A, %swap3A_19] : memref<1000x128xf32, #tpu.memory_space<vmem>>, vector<1000x128xf32>
    tpu.vector_store %arg5[%swap3A, %swap3A_19], %dot_general3A_18 {strides = array<i32>} : memref<1000x128xf32, #tpu.memory_space<vmem>>, vector<1000x128xf32>,
    %swap3A_21 = arith.constant 0 : index
    %swap3A_22 = arith.constant 0 : index
    %swap3A_23 = vector.load %arg6[%swap3A_21, %swap3A_22] : memref<1000x1xf32, #tpu.memory_space<vmem>>, vector<1000x1xf32>
    tpu.vector_store %arg6[%swap3A_21, %swap3A_22], %rsqrt3A {strides = array<i32>} : memref<1000x1xf32, #tpu.memory_space<vmem>>, vector<1000x1xf32>,
    %swap3A_24 = arith.constant 0 : index
    %swap3A_25 = arith.constant 0 : index
    %swap3A_26 = vector.load %arg7[%swap3A_24, %swap3A_25] : memref<1000x1xf32, #tpu.memory_space<vmem>>, vector<1000x1xf32>
    tpu.vector_store %arg7[%swap3A_24, %swap3A_25], %rsqrt3A_10 {strides = array<i32>} : memref<1000x1xf32, #tpu.memory_space<vmem>>, vector<1000x1xf32>,
    return
  }
  func.func @transform_0(%arg0: i32) -> (i32, i32) {
    %c0_i32 = arith.constant 0 : i32
    %c0_i32_0 = arith.constant 0 : i32
    return %arg0, %c0_i32 : i32, i32
  }
  func.func @transform_1(%arg0: i32) -> (i32, i32) {
    %c0_i32 = arith.constant 0 : i32
    %c0_i32_0 = arith.constant 0 : i32
    %c0_i32_1 = arith.constant 0 : i32
    return %c0_i32, %c0_i32_0 : i32, i32
  }
  func.func @transform_2(%arg0: i32) -> (i32, i32) {
    %c0_i32 = arith.constant 0 : i32
    %c0_i32_0 = arith.constant 0 : i32
    return %arg0, %c0_i32 : i32, i32
  }
  func.func @transform_3(%arg0: i32) -> (i32, i32) {
    %c0_i32 = arith.constant 0 : i32
    %c0_i32_0 = arith.constant 0 : i32
    return %arg0, %c0_i32 : i32, i32
  }
  func.func @transform_4(%arg0: i32) -> (i32, i32) {
    %c0_i32 = arith.constant 0 : i32
    %c0_i32_0 = arith.constant 0 : i32
    return %arg0, %c0_i32 : i32, i32
  }
  func.func @transform_5(%arg0: i32) -> (i32, i32) {
    %c0_i32 = arith.constant 0 : i32
    %c0_i32_0 = arith.constant 0 : i32
    return %arg0, %c0_i32 : i32, i32
  }
  func.func @transform_6(%arg0: i32) -> (i32, i32) {
    %c0_i32 = arith.constant 0 : i32
    %c0_i32_0 = arith.constant 0 : i32
    return %arg0, %c0_i32 : i32, i32
  }
}

module attributes {stable_mosaic.version = 14 : i64} {
  func.func @_tc2_body(%arg0: i32, %arg1: memref<2x1000x128xf32, #tpu.memory_space<vmem>>, %arg2: memref<1000x1xf32, #tpu.memory_space<vmem>>, %arg3: memref<1x128xf32, #tpu.memory_space<vmem>>, %arg4: memref<128x128xf32, #tpu.memory_space<vmem>>, %arg5: memref<1000x1xf32, #tpu.memory_space<vmem>>, %arg6: memref<1000x128xf32, #tpu.memory_space<vmem>>) attributes {dimension_semantics = [#tpu.dimension_semantics<arbitrary>], iteration_bounds = array<i64: 10>, scalar_prefetch = 0 : i64, scratch_operands = 0 : i64, tpu.core_type = #tpu.core_type<tc>, window_params = [{transform_indices = @transform_0, window_bounds = array<i64: 2, 1000, 128>}, {transform_indices = @transform_1, window_bounds = array<i64: 1000, 1>}, {pipeline_mode = #tpu.pipeline_mode<synchronous>, transform_indices = @transform_2, window_bounds = array<i64: 1, 128>}, {pipeline_mode = #tpu.pipeline_mode<synchronous>, transform_indices = @transform_3, window_bounds = array<i64: 128, 128>}, {transform_indices = @transform_4, window_bounds = array<i64: 1000, 1>}, {transform_indices = @transform_5, window_bounds = array<i64: 1000, 128>}]} {
    %get3A = arith.constant 0 : index
    %get3A_0 = arith.constant 0 : index
    %get3A_1 = arith.constant 0 : index
    %get3A_2 = vector.load %arg1[%get3A, %get3A_0, %get3A_1] : memref<2x1000x128xf32, #tpu.memory_space<vmem>>, vector<1x1000x128xf32>
    %get3A_3 = vector.shape_cast %get3A_2 : vector<1x1000x128xf32> to vector<1000x128xf32>
    %get3A_4 = arith.constant 1 : index
    %get3A_5 = arith.constant 0 : index
    %get3A_6 = arith.constant 0 : index
    %get3A_7 = vector.load %arg1[%get3A_4, %get3A_5, %get3A_6] : memref<2x1000x128xf32, #tpu.memory_space<vmem>>, vector<1x1000x128xf32>
    %get3A_8 = vector.shape_cast %get3A_7 : vector<1x1000x128xf32> to vector<1000x128xf32>
    %add3A = arith.addf %get3A_3, %get3A_8 : vector<1000x128xf32>
    %get3A_9 = arith.constant 0 : index
    %get3A_10 = arith.constant 0 : index
    %get3A_11 = vector.load %arg2[%get3A_9, %get3A_10] : memref<1000x1xf32, #tpu.memory_space<vmem>>, vector<1000x1xf32>
    %mul3A = vector.broadcast %get3A_11 : vector<1000x1xf32> to vector<1000x128xf32>
    %mul3A_12 = arith.mulf %add3A, %mul3A : vector<1000x128xf32>
    %get3A_13 = arith.constant 0 : index
    %get3A_14 = arith.constant 0 : index
    %get3A_15 = vector.load %arg3[%get3A_13, %get3A_14] : memref<1x128xf32, #tpu.memory_space<vmem>>, vector<1x128xf32>
    %add3A_16 = vector.broadcast %get3A_15 : vector<1x128xf32> to vector<1000x128xf32>
    %add3A_17 = arith.addf %mul3A_12, %add3A_16 : vector<1000x128xf32>
    %max3A = arith.constant 0.000000e+00 : f32
    %max3A_18 = vector.broadcast %max3A : f32 to vector<1000x128xf32>
    %max3A_19 = arith.maximumf %add3A_17, %max3A_18 : vector<1000x128xf32>
    %get3A_20 = arith.constant 0 : index
    %get3A_21 = arith.constant 0 : index
    %get3A_22 = vector.load %arg5[%get3A_20, %get3A_21] : memref<1000x1xf32, #tpu.memory_space<vmem>>, vector<1000x1xf32>
    %mul3A_23 = vector.broadcast %get3A_22 : vector<1000x1xf32> to vector<1000x128xf32>
    %mul3A_24 = arith.mulf %max3A_19, %mul3A_23 : vector<1000x128xf32>
    %get3A_25 = arith.constant 0 : index
    %get3A_26 = arith.constant 0 : index
    %get3A_27 = vector.load %arg4[%get3A_25, %get3A_26] : memref<128x128xf32, #tpu.memory_space<vmem>>, vector<128x128xf32>
    %dot_general3A = arith.constant dense<0.000000e+00> : vector<1000x128xf32>
    %dot_general3A_28 = tpu.matmul %mul3A_24, %get3A_27, %dot_general3A {dimension_numbers = #tpu.dot_dimension_numbers<[1], [0], [0], [1], [0, 0, 1, 1], [], []>, transpose_lhs_hint = false} : vector<1000x128xf32>, vector<128x128xf32>, vector<1000x128xf32> -> vector<1000x128xf32>
    %swap3A = arith.constant 0 : index
    %swap3A_29 = arith.constant 0 : index
    %swap3A_30 = vector.load %arg6[%swap3A, %swap3A_29] : memref<1000x128xf32, #tpu.memory_space<vmem>>, vector<1000x128xf32>
    tpu.vector_store %arg6[%swap3A, %swap3A_29], %dot_general3A_28 {strides = array<i32>} : memref<1000x128xf32, #tpu.memory_space<vmem>>, vector<1000x128xf32>,
    return
  }
  func.func @transform_0(%arg0: i32) -> (i32, i32, i32) {
    %c0_i32 = arith.constant 0 : i32
    %c0_i32_0 = arith.constant 0 : i32
    %c0_i32_1 = arith.constant 0 : i32
    return %c0_i32, %arg0, %c0_i32_0 : i32, i32, i32
  }
  func.func @transform_1(%arg0: i32) -> (i32, i32) {
    %c0_i32 = arith.constant 0 : i32
    %c0_i32_0 = arith.constant 0 : i32
    return %arg0, %c0_i32 : i32, i32
  }
  func.func @transform_2(%arg0: i32) -> (i32, i32) {
    %c0_i32 = arith.constant 0 : i32
    %c0_i32_0 = arith.constant 0 : i32
    %c0_i32_1 = arith.constant 0 : i32
    return %c0_i32, %c0_i32_0 : i32, i32
  }
  func.func @transform_3(%arg0: i32) -> (i32, i32) {
    %c0_i32 = arith.constant 0 : i32
    %c0_i32_0 = arith.constant 0 : i32
    %c0_i32_1 = arith.constant 0 : i32
    return %c0_i32, %c0_i32_0 : i32, i32
  }
  func.func @transform_4(%arg0: i32) -> (i32, i32) {
    %c0_i32 = arith.constant 0 : i32
    %c0_i32_0 = arith.constant 0 : i32
    return %arg0, %c0_i32 : i32, i32
  }
  func.func @transform_5(%arg0: i32) -> (i32, i32) {
    %c0_i32 = arith.constant 0 : i32
    %c0_i32_0 = arith.constant 0 : i32
    return %arg0, %c0_i32 : i32, i32
  }
}

module attributes {stable_mosaic.version = 14 : i64} {
  func.func @_tc3_body(%arg0: i32, %arg1: memref<2x1000x128xf32, #tpu.memory_space<vmem>>, %arg2: memref<1000x1xf32, #tpu.memory_space<vmem>>, %arg3: memref<1x128xf32, #tpu.memory_space<vmem>>, %arg4: memref<1000x128xf32, #tpu.memory_space<vmem>>) attributes {dimension_semantics = [#tpu.dimension_semantics<arbitrary>], iteration_bounds = array<i64: 10>, scalar_prefetch = 0 : i64, scratch_operands = 0 : i64, tpu.core_type = #tpu.core_type<tc>, window_params = [{transform_indices = @transform_0, window_bounds = array<i64: 2, 1000, 128>}, {transform_indices = @transform_1, window_bounds = array<i64: 1000, 1>}, {pipeline_mode = #tpu.pipeline_mode<synchronous>, transform_indices = @transform_2, window_bounds = array<i64: 1, 128>}, {transform_indices = @transform_3, window_bounds = array<i64: 1000, 128>}]} {
    %get3A = arith.constant 0 : index
    %get3A_0 = arith.constant 0 : index
    %get3A_1 = arith.constant 0 : index
    %get3A_2 = vector.load %arg1[%get3A, %get3A_0, %get3A_1] : memref<2x1000x128xf32, #tpu.memory_space<vmem>>, vector<1x1000x128xf32>
    %get3A_3 = vector.shape_cast %get3A_2 : vector<1x1000x128xf32> to vector<1000x128xf32>
    %get3A_4 = arith.constant 1 : index
    %get3A_5 = arith.constant 0 : index
    %get3A_6 = arith.constant 0 : index
    %get3A_7 = vector.load %arg1[%get3A_4, %get3A_5, %get3A_6] : memref<2x1000x128xf32, #tpu.memory_space<vmem>>, vector<1x1000x128xf32>
    %get3A_8 = vector.shape_cast %get3A_7 : vector<1x1000x128xf32> to vector<1000x128xf32>
    %add3A = arith.addf %get3A_3, %get3A_8 : vector<1000x128xf32>
    %get3A_9 = arith.constant 0 : index
    %get3A_10 = arith.constant 0 : index
    %get3A_11 = vector.load %arg2[%get3A_9, %get3A_10] : memref<1000x1xf32, #tpu.memory_space<vmem>>, vector<1000x1xf32>
    %mul3A = vector.broadcast %get3A_11 : vector<1000x1xf32> to vector<1000x128xf32>
    %mul3A_12 = arith.mulf %add3A, %mul3A : vector<1000x128xf32>
    %get3A_13 = arith.constant 0 : index
    %get3A_14 = arith.constant 0 : index
    %get3A_15 = vector.load %arg3[%get3A_13, %get3A_14] : memref<1x128xf32, #tpu.memory_space<vmem>>, vector<1x128xf32>
    %add3A_16 = vector.broadcast %get3A_15 : vector<1x128xf32> to vector<1000x128xf32>
    %add3A_17 = arith.addf %mul3A_12, %add3A_16 : vector<1000x128xf32>
    %max3A = arith.constant 0.000000e+00 : f32
    %max3A_18 = vector.broadcast %max3A : f32 to vector<1000x128xf32>
    %max3A_19 = arith.maximumf %add3A_17, %max3A_18 : vector<1000x128xf32>
    %swap3A = arith.constant 0 : index
    %swap3A_20 = arith.constant 0 : index
    %swap3A_21 = vector.load %arg4[%swap3A, %swap3A_20] : memref<1000x128xf32, #tpu.memory_space<vmem>>, vector<1000x128xf32>
    tpu.vector_store %arg4[%swap3A, %swap3A_20], %max3A_19 {strides = array<i32>} : memref<1000x128xf32, #tpu.memory_space<vmem>>, vector<1000x128xf32>,
    return
  }
  func.func @transform_0(%arg0: i32) -> (i32, i32, i32) {
    %c0_i32 = arith.constant 0 : i32
    %c0_i32_0 = arith.constant 0 : i32
    %c0_i32_1 = arith.constant 0 : i32
    return %c0_i32, %arg0, %c0_i32_0 : i32, i32, i32
  }
  func.func @transform_1(%arg0: i32) -> (i32, i32) {
    %c0_i32 = arith.constant 0 : i32
    %c0_i32_0 = arith.constant 0 : i32
    return %arg0, %c0_i32 : i32, i32
  }
  func.func @transform_2(%arg0: i32) -> (i32, i32) {
    %c0_i32 = arith.constant 0 : i32
    %c0_i32_0 = arith.constant 0 : i32
    %c0_i32_1 = arith.constant 0 : i32
    return %c0_i32, %c0_i32_0 : i32, i32
  }
  func.func @transform_3(%arg0: i32) -> (i32, i32) {
    %c0_i32 = arith.constant 0 : i32
    %c0_i32_0 = arith.constant 0 : i32
    return %arg0, %c0_i32 : i32, i32
  }
}

</mosaic_0001>

<sc_bundles>
// kernel: kernel.12.cloned.1.call-start
scs
__scs_entry_jumppad:
0x0: {  	(pc) =	sbr.rel $0x88, $3  }
0x1: {  	(tag) =	ssettag $0x0;
	lr =	simm.s32 $0x1  }
0x2: {  	[smem:$0x3F9B] =	sst lr;
	_ =	strace $0xD0000000  }
0x3: {  	_ = 	snop  }
0x4: {  	_ = 	snop  }
0x5: {  	_ = 	snop  }
0x6: {  	_ = 	snop  }
0x7: {  	_ = 	snop  }
__scs_overlays_trampoline_lowered:
0x8: {  	[smem:$0x3FAA] =	sst s0  }
0x9: {  	[smem:$0x3FAB] =	sst s1  }
0xa: {  	[smem:$0x3FAC] =	sst s2  }
0xb: {  	[smem:$0x3FAD] =	sst s3  }
0xc: {  	[smem:$0x3FAE] =	sst s4  }
0xd: {  	[smem:$0x3FAF] =	sst s5  }
0xe: {  	[smem:$0x3FB0] =	sst s6  }
0xf: {  	[smem:$0x3FB1] =	sst s7  }
0x10: {  	[smem:$0x3FB2] =	sst s8  }
0x11: {  	[smem:$0x3FB3] =	sst s9;
	s0 =	simm.s32 @!p0 $0x0  }
0x12: {  	s1 =	sld [smem:$0x3F99];
	s0 =	simm.s32 @p0 $0x1  }
0x13: {  	[smem:$0x3FB4] =	sst s0;
	s0 =	simm.s32 @!p1 $0x0  }
0x14: {  	s2 =	sld [smem:$0x3F98];
	s0 =	simm.s32 @p1 $0x1  }
0x15: {  	[smem:$0x3FB5] =	sst s0;
	s0 =	simm.s32 @!p2 $0x0  }
0x16: {  	s3 =	sld [smem:$0x3FDB];
	s0 =	simm.s32 @p2 $0x1  }
0x17: {  	s4 =	simm.s32 $0x1BF5;
	[smem:$0x3FB7] =	sst s0  }
0x18: {  	s0 =	sld [smem:$0x3F9A];
	_ =	swait.ge [sflag:s4], $0x0  }
0x19: {  	s7 =	sld [smem:$0x3F9B]  }
0x1a: {  	s8 =	sadd.s32 $0xFFFFE003, lr  }
0x1b: {  	s9 =	sadd.s32 $0xFFFFFEF7, lr;
	s5 =	simm.s32 $0xFFFFFFFF;
	p2 =	slt.u32 s8, $0xFFFFF086  }
0x1c: {  	p1 =	slt.u32 s9, $0xF7A;
	s5 =	simm.s32 @!p2 $0x0  }
0x1d: {  	s5 =	simm.s32 @p1 $0x1;
	p0 =	seq.s32 s7, s2  }
0x1e: {  	s7 =	smul.u32 @!p0 $0xF7A, s2;
	p2 =	seq.s32 @!p0 s5, $0x0  }
0x1f: {  	s9 =	smul.u32 $0xF7A, s1;
	s8 =	simm.s32 @!p0 $0x1BF5;
	p2 =	por !p2, p0  }
0x20: {  	[sflag:s8] =	ssyncset.s32 @!p0 $0xFFFFF086;
	s6 =	sadd.s32 @!p0 s3, s7;
	s7 =	simm.s32 @!p0 $0x108  }
0x21: {  	s3 =	sadd.s32 s3, s9;
	s6 =	sadd.s32 @!p0 $0x88, s6;
	s7 =	simm.s32 @p2 $0x1082  }
0x22: {  	[simem:s7], [sflag:s8] =	dma.local @!p0 [hbm:s6], $0xF7A  }
0x23: {  	s9 =	sor.u32 $0xD0000000, s2;
	s6 =	simm.s32 $0x108;
	_ =	swait.ge @!p0 [sflag:s8], $0x0  }
0x24: {  	s3 =	sadd.s32 $0x88, s3;
	s6 =	simm.s32 @!p1 $0x1082;
	[sflag:s4] =	ssyncset.s32 $0xFFFFF086  }
0x25: {  	[simem:s6], [sflag:s4] =	dma.local [hbm:s3], $0xF7A  }
0x26: {  	[smem:$0x3F9B] =	sst s1;
	(tag) =	ssettag s2;
	_ =	strace s9  }
0x27: {  	s1 =	sld [smem:$0x3FAB]  }
0x28: {  	s2 =	sld [smem:$0x3FAC]  }
0x29: {  	s4 =	sld [smem:$0x3FAE]  }
0x2a: {  	p0 =	seq.s32 s5, $0x0;
	s5 =	sld [smem:$0x3FAF]  }
0x2b: {  	s6 =	sld [smem:$0x3FB0]  }
0x2c: {  	s7 =	sld [smem:$0x3FB1]  }
0x2d: {  	s3 =	simm.s32 $0x108;
	s8 =	sld [smem:$0x3FB2]  }
0x2e: {  	s3 =	simm.s32 @!p0 $0x1082;
	s9 =	sld [smem:$0x3FB3]  }
0x2f: {  	lr =	sadd.s32 s0, s3;
	s0 =	sld [smem:$0x3FAA]  }
0x30: {  	s3 =	sld [smem:$0x3FAD]  }
0x31: {  	[smem:$0x3FB6] =	sst s10  }
0x32: {  	s10 =	sld [smem:$0x3FB4];
	_ =	sdelay $0x3  }
0x33: {  	p0 =	seq.s32 s10, $0x1;
	s10 =	sld [smem:$0x3FB6];
	_ =	sdelay $0x3  }
0x34: {  	[smem:$0x3FB6] =	sst s10  }
0x35: {  	s10 =	sld [smem:$0x3FB5];
	_ =	sdelay $0x3  }
0x36: {  	p1 =	seq.s32 s10, $0x1;
	s10 =	sld [smem:$0x3FB6];
	_ =	sdelay $0x3  }
0x37: {  	[smem:$0x3FB6] =	sst s10  }
0x38: {  	s10 =	sld [smem:$0x3FB7]  }
0x39: {  	_ = 	snop;
	(pc) =	sbr.ind lr, $3  }
0x3a: {  	_ = 	snop  }
0x3b: {  	_ = 	snop  }
0x3c: {  	p2 =	seq.s32 s10, $0x1;
	s10 =	sld [smem:$0x3FB6]  }
0x3d: {  	_ =	shalt  }
0x3e: {  	_ =	shalt  }
0x3f: {  	_ =	shalt  }
0x40: {  	_ =	shalt  }
0x41: {  	_ =	shalt  }
0x42: {  	_ =	shalt  }
0x43: {  	_ =	shalt  }
0x44: {  	_ =	shalt  }
0x45: {  	_ =	shalt  }
0x46: {  	_ =	shalt  }
0x47: {  	_ =	shalt  }
0x48: {  	_ =	shalt  }
0x49: {  	_ =	shalt  }
0x4a: {  	_ =	shalt  }
0x4b: {  	_ =	shalt  }
0x4c: {  	_ =	shalt  }
0x4d: {  	_ =	shalt  }
0x4e: {  	_ =	shalt  }
0x4f: {  	_ =	shalt  }
0x50: {  	_ =	shalt  }
0x51: {  	_ =	shalt  }
0x52: {  	_ =	shalt  }
0x53: {  	_ =	shalt  }
0x54: {  	_ =	shalt  }
0x55: {  	_ =	shalt  }
0x56: {  	_ =	shalt  }
0x57: {  	_ =	shalt  }
0x58: {  	_ =	shalt  }
0x59: {  	_ =	shalt  }
0x5a: {  	_ =	shalt  }
0x5b: {  	_ =	shalt  }
0x5c: {  	_ =	shalt  }
0x5d: {  	_ =	shalt  }
0x5e: {  	_ =	shalt  }
0x5f: {  	_ =	shalt  }
0x60: {  	_ =	shalt  }
0x61: {  	_ =	shalt  }
0x62: {  	_ =	shalt  }
0x63: {  	_ =	shalt  }
0x64: {  	_ =	shalt  }
0x65: {  	_ =	shalt  }
0x66: {  	_ =	shalt  }
0x67: {  	_ =	shalt  }
0x68: {  	_ =	shalt  }
0x69: {  	_ =	shalt  }
0x6a: {  	_ =	shalt  }
0x6b: {  	_ =	shalt  }
0x6c: {  	_ =	shalt  }
0x6d: {  	_ =	shalt  }
0x6e: {  	_ =	shalt  }
0x6f: {  	_ =	shalt  }
0x70: {  	_ =	shalt  }
0x71: {  	_ =	shalt  }
0x72: {  	_ =	shalt  }
0x73: {  	_ =	shalt  }
0x74: {  	_ =	shalt  }
0x75: {  	_ =	shalt  }
0x76: {  	_ =	shalt  }
0x77: {  	_ =	shalt  }
0x78: {  	_ =	shalt  }
0x79: {  	_ =	shalt  }
0x7a: {  	_ =	shalt  }
0x7b: {  	_ =	shalt  }
0x7c: {  	_ =	shalt  }
0x7d: {  	_ =	shalt  }
0x7e: {  	_ =	shalt  }
0x7f: {  	_ =	shalt  }
0x80: {  	_ =	shalt  }
0x81: {  	_ =	shalt  }
0x82: {  	_ =	shalt  }
0x83: {  	_ =	shalt  }
0x84: {  	_ =	shalt  }
0x85: {  	_ =	shalt  }
0x86: {  	_ =	shalt  }
0x87: {  	_ =	shalt  }
.Lfunc_end0:
.L_simem_size_0:
called_computation.1_lowered:
.L_overlay_start_0:
0x88: {  	s2 =	sld [smem:$0x3FD9]  }
0x89: {  	s3 =	sld [smem:$0x3FFE];
	_ =	sdelay $0x1  }
0x8a: {  	s1 =	srdreg.scid  }
0x8b: {  	s0 =	sand.u32 $0x1, s1  }
0x8c: {  	s17 =	sshll.u32 s0, $0xA;
	s2 =	sadd.s32 s3, s2  }
0x8d: {  	s2 =	sadd.s32 s2, s17  }
0x8e: {  	[smem:$0x3FC2] =	sst s2  }
0x8f: {  	_ = 	snop  }
0x90: {  	s2 =	sld [smem:$0x3FD0];
	(tm) =	ssettm $0x1  }
0x91: {  	s18 =	sld [smem:$0x3FFB];
	_ =	sdelay $0x3  }
0x92: {  	_ =	strace s18  }
0x93: {  	s3 =	sld [smem:$0x3FFC];
	_ =	sdelay $0x3  }
0x94: {  	_ =	strace s3  }
0x95: {  	s3 =	sld [smem:$0x3FFD];
	_ =	sdelay $0x3  }
0x96: {  	_ =	strace s3  }
0x97: {  	_ =	strace $0x8FFFFFFF  }
0x98: {  	s19 =	sld [smem:$0x3FDB];
	_ =	sdelay $0x1  }
0x99: {  	s4 =	simm.s32 $_scs_section_size  }
0x9a: {  	s5 =	simm.s32 $_size__tile_overlayer_lowered;
	s6 =	simm.s32 $_tile_overlayer_lowered  }
0x9b: {  	s22 =	simm.s32 $0x1BFF;
	s21 =	sshll.u32 s6, $0x1;
	s3 =	sadd.s32 s4, s19  }
0x9c: {  	s7 =	simm.s32 $0x0;
	s20 =	sshll.u32 s5, $0x1;
	s5 =	sadd.s32 s21, s3  }
0x9d: {  	[timem:s7], [sflag:s22] =	dma.local [hbm:s5], s20  }
0x9e: {  	_ =	swait.ge [sflag:s22], s20  }
0x9f: {  	s4 =	ssub.s32 $0x0, s20;
	[sflag:s22] =	ssyncset.done $0x0  }
0xa0: {  	[sflag:s22] =	ssyncadd.s32 s4;
	_ =	sdelay $0x1  }
0xa1: {  	s23 =	simm.s32 $0x1B8B  }
0xa2: {  	_ =	swait.ge [sflag:s23], $0x1  }
0xa3: {  	[sflag:s23] =	ssyncset.done $0x0  }
0xa4: {  	s25 =	simm.s32 $0x1B8E;
	s24 =	sld [smem:$0x3FFE];
	[sflag:s23] =	ssyncadd.s32 $0xFFFFFFFF  }
0xa5: {  	s26 =	simm.s32 $execute0_lowered;
	[smem:$0x3FD2] =	sst s25  }
0xa6: {  	s5 =	sshll.u32 s26, $0x1;
	_ =	strace $0x80000049;
	[dreg:$0x1] =	wrdreg $0xFFFFFFFF  }
0xa7: {  	s28 =	simm.s32 $_size_execute0_lowered;
	s3 =	sadd.s32 s3, s5;
	[dreg:$0x0] =	wrdreg $0x0  }
0xa8: {  	s5 =	sshll.u32 s28, $0x1;
	[dreg:$0x2] =	wrdreg s3  }
0xa9: {  	[dreg:$0x3] =	wrdreg s5  }
0xaa: {  	[dreg:$0x4] =	wrdreg $0xC0  }
0xab: {  	_ =	task [dreg:s7], $0x5FFFF  }
0xac: {  	[dreg:$0x1] =	wrdreg $0xFFFFFFFF  }
0xad: {  	[dreg:$0x0] =	wrdreg $0x60  }
0xae: {  	[dreg:$0x2] =	wrdreg s2  }
0xaf: {  	[dreg:$0x3] =	wrdreg s24  }
0xb0: {  	[dreg:$0x4] =	wrdreg $0x0  }
0xb1: {  	[dreg:$0x5] =	wrdreg $0x9  }
0xb2: {  	_ =	task.clear_ibuf [dreg:s7], $0x6FFFF;
	_ =	strace $0x90000049  }
0xb3: {  	s29 =	simm.s32 $0x9;
	_ =	strace $0x8000004B  }
0xb4: {  	_ =	swait.ge [sflag:s29], $0x1  }
0xb5: {  	[sflag:s29] =	ssyncadd.s32 $0xFFFFFFFF  }
0xb6: {  	_ =	strace $0x9000004B  }
0xb7: {  	_ =	sfence  }
0xb8: {  	s30 =	sld [smem:$0x0];
	_ =	sdelay $0x2  }
0xb9: {  	s31 =	sshll.u32 s1, $0xD;
	s1 =	sshrl.u32 s1, $0x2  }
0xba: {  	s3 =	sand.u32 $0x4000, s31;
	s1 =	sadd.s32 s1, s30  }
0xbb: {  	s0 =	sor.u32 s3, s0;
	s1 =	sshll.u32 s1, $0x11  }
0xbc: {  	s0 =	sor.u32 s1, s0  }
0xbd: {  	s0 =	sadd.s32 $0x8F2B, s0  }
0xbe: {  	[sflag:s0] =	ssyncadd.remote.s32 $0x1  }
0xbf: {  	_ =	sfence.sel $0xFFFF  }
0xc0: {  	[dreg:$0x0] =	wrdreg $0xFFFFFFFF;
	(pc) =	sbr.abs _section_cstart, $3  }
0xc1: {  	[dreg:$0x1] =	wrdreg $0xFFFFFFFF  }
0xc2: {  	_ =	task.clear_ibuf [dreg:s7], $0x2FFFF;
	_ =	strace $0x9FFFFFFF  }
0xc3: {  	(tm) =	ssettm $0x7FFFFFFF  }
tec
execute0_lowered:
.L_overlay_start_1:
0x0: {  	(tag) =	ssettag $0x1  }
0x1: {  	s1 =	rddreg [dreg:$0x0];
	s0 =	srdreg.scid  }
0x2: {  	s2 =	rddreg [dreg:$0x1];
	s19 =	stileid.u32  }
0x3: {  	s3 =	rddreg [dreg:$0x2];
	s4 =	simm.s32 $0x0;
	s7 =	smul.u32 $0x2710, s19  }
0x4: {  	s28 =	simm.s32 $0x14100;
	s5 =	sand.u32 $0x1, s0;
	s13 =	smul.u32 $0x14000, s19  }
0x5: {  	s29 =	simm.s32 $0x1;
	s30 =	simm.s32 $0x0;
	s6 =	smul.u32 $0x27100, s5  }
0x6: {  	[smem:$0x7FF] =	sst s4;
	s14 =	smul.u32 $0x140000, s5;
	s5 =	ssub.s32 $0x2, s5  }
0x7: {  	s20 =	smul.u32 $0x50000, s19;
	_ =	strace $0x8000004A;
	s8 =	sshrl.u32 s5, $0x1  }
0x8: {  	s15 =	sadd.s32 $0x4000, s13;
	s16 =	sadd.s32 $0x8000, s13;
	s18 =	sadd.s32 $0xC000, s13  }
0x9: {  	s19 =	sadd.s32 $0x10000, s13;
	s6 =	sadd.s32 s7, s6;
	s21 =	sadd.s32 s14, s13  }
0xa: {  	s8 =	ssub.s32 s5, s8;
	s12 =	sadd.s32 s14, s15;
	s24 =	sadd.s32 s14, s16  }
0xb: {  	s25 =	sadd.s32 s14, s18;
	s14 =	sadd.s32 s14, s19;
	s31 =	sadd.s32 s19, s3  }
0xc: {  	s19 =	simm.s32 $0x2;
	s6 =	sshrl.u32 s6, $0x3;
	s7 =	sshrl.u32 s21, $0x3  }
0xd: {  	s23 =	smax.u32 s8, $0x1;
	s12 =	sshrl.u32 s12, $0x3;
	s26 =	sshrl.u32 s14, $0x3  }
0xe: {  	s21 =	simm.s32 $0x14080;
	s17 =	sadd.s32 s6, s2;
	s2 =	sadd.s32 $0x15A00, s2  }
0xf: {  	s6 =	sshrl.u32 s20, $0x2;
	[dreg:$0x5] =	wrdreg s23;
	s23 =	sadd.s32 s16, s3  }
0x10: {  	s20 =	simm.s32 $0x14000;
	s5 =	sadd.s32 s6, s3;
	s22 =	sadd.s32 s2, s7  }
0x11: {  	s12 =	sadd.s32 s2, s12;
	s16 =	sadd.s32 $0x1E00, s17;
	s17 =	sadd.s32 $0xBC00, s17  }
0x12: {  	s23 =	sshrl.u32 s23, $0x3;
	[dreg:$0x4] =	wrdreg s22;
	s8 =	sadd.s32 $0x4000, s5  }
0x13: {  	s9 =	sadd.s32 $0x8000, s5;
	s10 =	sadd.s32 $0xC000, s5;
	s11 =	sadd.s32 $0x10000, s5  }
0x14: {  	s22 =	sadd.s32 s15, s3;
	s15 =	sshrl.u32 s24, $0x3;
	s24 =	sadd.s32 s18, s3  }
0x15: {  	s18 =	simm.s32 $0x16900;
	s13 =	sadd.s32 s2, s15;
	s15 =	sshrl.u32 s25, $0x3  }
0x16: {  	s22 =	sshrl.u32 s22, $0x3;
	s24 =	sshrl.u32 s24, $0x3;
	s25 =	sshrl.u32 s31, $0x3  }
0x17: {  	v0 =	vimm.f32 $0.0e+00;
	s14 =	sadd.s32 s2, s15;
	s15 =	sadd.s32 s2, s26;
	s26 =	simm.s32 $0x50  }
.LBB2_1:
0x18: {  	s31 =	simm.s32 $0x0;
	s2 =	simm.s32 $0x200  }
.LBB2_2:
0x19: {  	p0 =	sne.s32 s2, $0xFE00;
	[tilespmem:s31+$0x16970] =	vst v0  }
0x1a: {  	[tilespmem:s31+$0x16900] =	vst v0  }
0x1b: {  	[tilespmem:s31+$0x16910] =	vst v0  }
.Ltmp0:
0x1c: {  	[tilespmem:s31+$0x16920] =	vst v0;
	(pc) =	sbr.rel @p0 .LBB2_2-.Ltmp0, $4  }
0x1d: {  	[tilespmem:s31+$0x16930] =	vst v0  }
0x1e: {  	[tilespmem:s31+$0x16940] =	vst v0  }
0x1f: {  	[tilespmem:s31+$0x16950] =	vst v0  }
0x20: {  	[tilespmem:s31+$0x16960] =	vst v0;
	s31 =	sshra.s32 s2, $0x2;
	s2 =	sadd.s32 $0x200, s2  }
0x21: {  	[tilespmem:s31+$0x16970] =	vst v0  }
0x22: {  	[tilespmem:s31+$0x16900] =	vst v0  }
0x23: {  	[tilespmem:s31+$0x16910] =	vst v0  }
0x24: {  	[tilespmem:s31+$0x16920] =	vst v0  }
0x25: {  	[tilespmem:s31+$0x16930] =	vst v0  }
0x26: {  	[tilespmem:s31+$0x16940] =	vst v0  }
0x27: {  	[tilespmem:s31+$0x16950] =	vst v0  }
0x28: {  	[tilespmem:s31+$0x16960] =	vst v0  }
0x29: {  	[spmem:s5] =	stream.linear.scatter [tilespmem:s18], [sflag:$0x2], $0x4000, $0x38;
	[tilespmem:$0x1A900] =	vst v63  }
0x2a: {  	_ =	swait.ge [sflag:s19], $0x4000  }
0x2b: {  	[sflag:s19] =	ssyncset.done $0x0  }
0x2c: {  	[sflag:s19] =	ssyncadd.s32 $0xFFFFC000  }
0x2d: {  	[spmem:s8] =	stream.linear.scatter [tilespmem:s18], [sflag:$0x2], $0x4000, $0x38;
	[tilespmem:$0x1A900] =	vst v63  }
0x2e: {  	_ =	swait.ge [sflag:s19], $0x4000  }
0x2f: {  	[sflag:s19] =	ssyncset.done $0x0  }
0x30: {  	[sflag:s19] =	ssyncadd.s32 $0xFFFFC000  }
0x31: {  	[spmem:s9] =	stream.linear.scatter [tilespmem:s18], [sflag:$0x2], $0x4000, $0x38;
	[tilespmem:$0x1A900] =	vst v63  }
0x32: {  	_ =	swait.ge [sflag:s19], $0x4000  }
0x33: {  	[sflag:s19] =	ssyncset.done $0x0  }
0x34: {  	[sflag:s19] =	ssyncadd.s32 $0xFFFFC000  }
0x35: {  	[spmem:s10] =	stream.linear.scatter [tilespmem:s18], [sflag:$0x2], $0x4000, $0x38;
	[tilespmem:$0x1A900] =	vst v63  }
0x36: {  	_ =	swait.ge [sflag:s19], $0x4000  }
0x37: {  	[sflag:s19] =	ssyncset.done $0x0  }
0x38: {  	[sflag:s19] =	ssyncadd.s32 $0xFFFFC000  }
0x39: {  	[spmem:s11] =	stream.linear.scatter [tilespmem:s18], [sflag:$0x2], $0x4000, $0x38;
	[tilespmem:$0x1A900] =	vst v63  }
0x3a: {  	_ =	swait.ge [sflag:s19], $0x4000  }
0x3b: {  	[sflag:s19] =	ssyncset.done $0x0  }
0x3c: {  	[sflag:s19] =	ssyncadd.s32 $0xFFFFC000  }
0x3d: {  	s2 =	sadd.s32 $0x0, s17;
	[bflag:$0x0] =	sbarrier.arrive $0xFFFF  }
0x3e: {  	[tilespmem:s20], [sflag:$0x2] =	stream.linear.gather [hbm4b:s2+s4], $0x50, $0x38;
	[tilespmem:$0x1A900] =	vst v63  }
0x3f: {  	_ =	swait.ge [sflag:s19], $0x50  }
0x40: {  	[sflag:s19] =	ssyncset.done $0x0  }
0x41: {  	s7 =	sadd.s32 $0x0, s16;
	[sflag:s19] =	ssyncadd.s32 $0xFFFFFFB0  }
0x42: {  	[tilespmem:s21], [sflag:$0x2] =	stream.linear.gather [hbm4b:s7+s4], $0x50, $0x38;
	[tilespmem:$0x1A900] =	vst v63  }
0x43: {  	_ =	swait.ge [sflag:s19], $0x50  }
0x44: {  	[sflag:s19] =	ssyncset.done $0x0  }
0x45: {  	[sflag:s19] =	ssyncadd.s32 $0xFFFFFFB0  }
0x46: {  	[tilespmem:s28], [sflag:$0x1] =	stream.indirect.gather [hbm4b:s1+s26], $0x80, s20, s26, $0xb8;
	[tilespmem:$0x1A900] =	vst v63  }
0x47: {  	_ =	swait.ge [sflag:s29], $0x2800  }
0x48: {  	[sflag:s29] =	ssyncset.done $0x0  }
0x49: {  	[sflag:s29] =	ssyncadd.s32 $0xFFFFD800  }
0x4a: {  	[spmem:s3] =	stream.indirect.scatter.add.f32 [tilespmem:s28], [sflag:$0x2], $0x80, s21, s26, $0xb8;
	[tilespmem:$0x1A900] =	vst v63  }
0x4b: {  	_ =	swait.ge [sflag:s19], $0x2800  }
0x4c: {  	s31 =	simm.s32 $0xA;
	s2 =	simm.s32 $0x14;
	[sflag:s19] =	ssyncset.done $0x0  }
.LBB2_4:
0x4d: {  	s0 =	sadd.s32 s31, s17  }
0x4e: {  	[sflag:s19] =	ssyncadd.s32 $0xFFFFD800;
	s6 =	smov.u32 s2;
	s7 =	sadd.s32 $0xA, s2  }
0x4f: {  	[tilespmem:s20], [sflag:$0x2] =	stream.linear.gather [hbm4b:s0+s4], $0x50, $0x38;
	[tilespmem:$0x1A900] =	vst v63  }
0x50: {  	p0 =	sne.s32 s2, $0x4D8;
	_ =	swait.ge [sflag:s19], $0x50  }
0x51: {  	[sflag:s19] =	ssyncset.done $0x0  }
0x52: {  	s0 =	sadd.s32 s31, s16;
	s31 =	smov.u32 s6;
	[sflag:s19] =	ssyncadd.s32 $0xFFFFFFB0  }
0x53: {  	[tilespmem:s21], [sflag:$0x2] =	stream.linear.gather [hbm4b:s0+s4], $0x50, $0x38;
	[tilespmem:$0x1A900] =	vst v63  }
0x54: {  	_ =	swait.ge [sflag:s19], $0x50  }
0x55: {  	[sflag:s19] =	ssyncset.done $0x0  }
0x56: {  	[sflag:s19] =	ssyncadd.s32 $0xFFFFFFB0  }
0x57: {  	[tilespmem:s28], [sflag:$0x1] =	stream.indirect.gather [hbm4b:s1+s26], $0x80, s20, s26, $0xb8;
	[tilespmem:$0x1A900] =	vst v63  }
0x58: {  	_ =	swait.ge [sflag:s29], $0x2800  }
.Ltmp1:
0x59: {  	[sflag:s29] =	ssyncset.done $0x0;
	(pc) =	sbr.rel @p0 .LBB2_4-.Ltmp1, $4  }
0x5a: {  	[sflag:s29] =	ssyncadd.s32 $0xFFFFD800  }
0x5b: {  	[spmem:s3] =	stream.indirect.scatter.add.f32 [tilespmem:s28], [sflag:$0x2], $0x80, s21, s26, $0xb8;
	[tilespmem:$0x1A900] =	vst v63  }
0x5c: {  	_ =	swait.ge [sflag:s19], $0x2800  }
0x5d: {  	s2 =	smov.u32 s7;
	[sflag:s19] =	ssyncset.done $0x0  }
0x5e: {  	s0 =	sadd.s32 s31, s17;
	[sflag:s19] =	ssyncadd.s32 $0xFFFFD800  }
0x5f: {  	[tilespmem:s20], [sflag:$0x2] =	stream.linear.gather [hbm4b:s0+s4], $0x50, $0x38;
	[tilespmem:$0x1A900] =	vst v63  }
0x60: {  	_ =	swait.ge [sflag:s19], $0x50  }
0x61: {  	[sflag:s19] =	ssyncset.done $0x0  }
0x62: {  	s6 =	sadd.s32 s31, s16;
	[sflag:s19] =	ssyncadd.s32 $0xFFFFFFB0  }
0x63: {  	[tilespmem:s21], [sflag:$0x2] =	stream.linear.gather [hbm4b:s6+s4], $0x50, $0x38;
	[tilespmem:$0x1A900] =	vst v63  }
0x64: {  	_ =	swait.ge [sflag:s19], $0x50  }
0x65: {  	[sflag:s19] =	ssyncset.done $0x0  }
0x66: {  	[sflag:s19] =	ssyncadd.s32 $0xFFFFFFB0  }
0x67: {  	[tilespmem:s28], [sflag:$0x1] =	stream.indirect.gather [hbm4b:s1+s26], $0x80, s20, s26, $0xb8;
	[tilespmem:$0x1A900] =	vst v63  }
0x68: {  	_ =	swait.ge [sflag:s29], $0x2800  }
0x69: {  	[sflag:s29] =	ssyncset.done $0x0  }
0x6a: {  	[sflag:s29] =	ssyncadd.s32 $0xFFFFD800  }
0x6b: {  	[spmem:s3] =	stream.indirect.scatter.add.f32 [tilespmem:s28], [sflag:$0x2], $0x80, s21, s26, $0xb8;
	[tilespmem:$0x1A900] =	vst v63  }
0x6c: {  	_ =	swait.ge [sflag:s19], $0x2800  }
0x6d: {  	[sflag:s19] =	ssyncset.done $0x0  }
0x6e: {  	s7 =	stileid.u32;
	[sflag:s19] =	ssyncadd.s32 $0xFFFFD800  }
0x6f: {  	s0 =	sshll.u32 s7, $0x6;
	[bflag:$0x0] =	sbarrier.arrive $0xFFFF  }
0x70: {  	s2 =	sshrl.u32 s5, $0x3;
	s0 =	sor.u32 $0x1C02, s0;
	s6 =	rddreg [dreg:$0x4]  }
0x71: {  	[hbm:s6], [sflag:s0] =	dma.local [spmem:s2], $0x800  }
0x72: {  	_ =	swait.ge [sflag:s19], $0x800  }
0x73: {  	[sflag:s19] =	ssyncset.done $0x0  }
0x74: {  	[sflag:s19] =	ssyncadd.s32 $0xFFFFF800  }
0x75: {  	[hbm:s12], [sflag:s0] =	dma.local [spmem:s22], $0x800  }
0x76: {  	_ =	swait.ge [sflag:s19], $0x800  }
0x77: {  	[sflag:s19] =	ssyncset.done $0x0  }
0x78: {  	[sflag:s19] =	ssyncadd.s32 $0xFFFFF800  }
0x79: {  	[hbm:s13], [sflag:s0] =	dma.local [spmem:s23], $0x800  }
0x7a: {  	_ =	swait.ge [sflag:s19], $0x800  }
0x7b: {  	[sflag:s19] =	ssyncset.done $0x0  }
0x7c: {  	[sflag:s19] =	ssyncadd.s32 $0xFFFFF800  }
0x7d: {  	[hbm:s14], [sflag:s0] =	dma.local [spmem:s24], $0x800  }
0x7e: {  	_ =	swait.ge [sflag:s19], $0x800  }
0x7f: {  	[sflag:s19] =	ssyncset.done $0x0  }
0x80: {  	[sflag:s19] =	ssyncadd.s32 $0xFFFFF800  }
0x81: {  	[hbm:s15], [sflag:s0] =	dma.local [spmem:s25], $0x800  }
0x82: {  	_ =	swait.ge [sflag:s19], $0x800  }
0x83: {  	s30 =	sadd.s32 $0x1, s30;
	s31 =	rddreg [dreg:$0x5]  }
0x84: {  	p0 =	sne.s32 s30, s31  }
.Ltmp2:
0x85: {  	_ = 	snop;
	(pc) =	sbr.rel @p0 .LBB2_1-.Ltmp2, $3  }
0x86: {  	_ =	sdelay $0x1  }
0x87: {  	[sflag:s19] =	ssyncset.done $0x0  }
0x88: {  	[sflag:s19] =	ssyncadd.s32 $0xFFFFF800  }
0x89: {  	_ =	sfence.sel $0x180000  }
0x8a: {  	[bflag:$0x0] =	sbarrier.arrive $0xFFFF  }
0x8b: {  	_ =	strace $0x9000004A  }
0x8c: {  	s0 =	stileid.u32;
	[bflag:$0x2] =	sbarrier.arrive $0xFFFF  }
0x8d: {  	p0 =	sne.s32 s0, $0x0;
	s0 =	rddreg [dreg:$0x3]  }
0x8e: {  	s0 =	sadd.s32 @!p0 $0x100000, s0  }
0x8f: {  	[sflag:s0] =	ssyncadd.tile.s32 @!p0 $0x1;
	_ =	shalt  }
.Lfunc_end2:
_tile_overlayer_lowered:
.L_overlay_start_2:
0x90: {  	(tag) =	ssettag $0x2  }
0x91: {  	s0 =	rddreg [dreg:$0x0];
	s2 =	stileid.u32  }
0x92: {  	s1 =	rddreg [dreg:$0x1];
	p0 =	sne.s32 s2, $0x0  }
0x93: {  	s3 =	rddreg [dreg:$0x2];
	[bflag:$0x3] =	sbarrier.arrive $0xFFFF;
	s2 =	simm.s32 @!p0 $0x1C02  }
0x94: {  	[timem:s3], [sflag:s2] =	dma.local @!p0 [hbm:s0], s1  }
0x95: {  	s0 =	simm.s32 @!p0 $0x2  }
0x96: {  	_ =	swait.ge @!p0 [sflag:s0], s1  }
0x97: {  	s1 =	ssub.s32 @!p0 $0x0, s1;
	[sflag:s0] =	ssyncset.done @!p0 $0x0  }
0x98: {  	[sflag:s0] =	ssyncadd.s32 @!p0 s1  }
0x99: {  	[bflag:$0x3] =	sbarrier.arrive $0xFFFF  }
0x9a: {  	_ =	shalt  }

// kernel: kernel.15.cloned.1.call-start
scs
__scs_entry_jumppad:
0x0: {  	(pc) =	sbr.rel $0x88, $3  }
0x1: {  	(tag) =	ssettag $0x0;
	lr =	simm.s32 $0x1  }
0x2: {  	[smem:$0x3F9B] =	sst lr;
	_ =	strace $0xD0000000  }
0x3: {  	_ = 	snop  }
0x4: {  	_ = 	snop  }
0x5: {  	_ = 	snop  }
0x6: {  	_ = 	snop  }
0x7: {  	_ = 	snop  }
__scs_overlays_trampoline_lowered:
0x8: {  	[smem:$0x3FAA] =	sst s0  }
0x9: {  	[smem:$0x3FAB] =	sst s1  }
0xa: {  	[smem:$0x3FAC] =	sst s2  }
0xb: {  	[smem:$0x3FAD] =	sst s3  }
0xc: {  	[smem:$0x3FAE] =	sst s4  }
0xd: {  	[smem:$0x3FAF] =	sst s5  }
0xe: {  	[smem:$0x3FB0] =	sst s6  }
0xf: {  	[smem:$0x3FB1] =	sst s7  }
0x10: {  	[smem:$0x3FB2] =	sst s8  }
0x11: {  	[smem:$0x3FB3] =	sst s9;
	s0 =	simm.s32 @!p0 $0x0  }
0x12: {  	s1 =	sld [smem:$0x3F99];
	s0 =	simm.s32 @p0 $0x1  }
0x13: {  	[smem:$0x3FB4] =	sst s0;
	s0 =	simm.s32 @!p1 $0x0  }
0x14: {  	s2 =	sld [smem:$0x3F98];
	s0 =	simm.s32 @p1 $0x1  }
0x15: {  	[smem:$0x3FB5] =	sst s0;
	s0 =	simm.s32 @!p2 $0x0  }
0x16: {  	s3 =	sld [smem:$0x3FDB];
	s0 =	simm.s32 @p2 $0x1  }
0x17: {  	s4 =	simm.s32 $0x1BF5;
	[smem:$0x3FB7] =	sst s0  }
0x18: {  	s0 =	sld [smem:$0x3F9A];
	_ =	swait.ge [sflag:s4], $0x0  }
0x19: {  	s7 =	sld [smem:$0x3F9B]  }
0x1a: {  	s8 =	sadd.s32 $0xFFFFE003, lr  }
0x1b: {  	s9 =	sadd.s32 $0xFFFFFEF7, lr;
	s5 =	simm.s32 $0xFFFFFFFF;
	p2 =	slt.u32 s8, $0xFFFFF086  }
0x1c: {  	p1 =	slt.u32 s9, $0xF7A;
	s5 =	simm.s32 @!p2 $0x0  }
0x1d: {  	s5 =	simm.s32 @p1 $0x1;
	p0 =	seq.s32 s7, s2  }
0x1e: {  	s7 =	smul.u32 @!p0 $0xF7A, s2;
	p2 =	seq.s32 @!p0 s5, $0x0  }
0x1f: {  	s9 =	smul.u32 $0xF7A, s1;
	s8 =	simm.s32 @!p0 $0x1BF5;
	p2 =	por !p2, p0  }
0x20: {  	[sflag:s8] =	ssyncset.s32 @!p0 $0xFFFFF086;
	s6 =	sadd.s32 @!p0 s3, s7;
	s7 =	simm.s32 @!p0 $0x108  }
0x21: {  	s3 =	sadd.s32 s3, s9;
	s6 =	sadd.s32 @!p0 $0x88, s6;
	s7 =	simm.s32 @p2 $0x1082  }
0x22: {  	[simem:s7], [sflag:s8] =	dma.local @!p0 [hbm:s6], $0xF7A  }
0x23: {  	s9 =	sor.u32 $0xD0000000, s2;
	s6 =	simm.s32 $0x108;
	_ =	swait.ge @!p0 [sflag:s8], $0x0  }
0x24: {  	s3 =	sadd.s32 $0x88, s3;
	s6 =	simm.s32 @!p1 $0x1082;
	[sflag:s4] =	ssyncset.s32 $0xFFFFF086  }
0x25: {  	[simem:s6], [sflag:s4] =	dma.local [hbm:s3], $0xF7A  }
0x26: {  	[smem:$0x3F9B] =	sst s1;
	(tag) =	ssettag s2;
	_ =	strace s9  }
0x27: {  	s1 =	sld [smem:$0x3FAB]  }
0x28: {  	s2 =	sld [smem:$0x3FAC]  }
0x29: {  	s4 =	sld [smem:$0x3FAE]  }
0x2a: {  	p0 =	seq.s32 s5, $0x0;
	s5 =	sld [smem:$0x3FAF]  }
0x2b: {  	s6 =	sld [smem:$0x3FB0]  }
0x2c: {  	s7 =	sld [smem:$0x3FB1]  }
0x2d: {  	s3 =	simm.s32 $0x108;
	s8 =	sld [smem:$0x3FB2]  }
0x2e: {  	s3 =	simm.s32 @!p0 $0x1082;
	s9 =	sld [smem:$0x3FB3]  }
0x2f: {  	lr =	sadd.s32 s0, s3;
	s0 =	sld [smem:$0x3FAA]  }
0x30: {  	s3 =	sld [smem:$0x3FAD]  }
0x31: {  	[smem:$0x3FB6] =	sst s10  }
0x32: {  	s10 =	sld [smem:$0x3FB4];
	_ =	sdelay $0x3  }
0x33: {  	p0 =	seq.s32 s10, $0x1;
	s10 =	sld [smem:$0x3FB6];
	_ =	sdelay $0x3  }
0x34: {  	[smem:$0x3FB6] =	sst s10  }
0x35: {  	s10 =	sld [smem:$0x3FB5];
	_ =	sdelay $0x3  }
0x36: {  	p1 =	seq.s32 s10, $0x1;
	s10 =	sld [smem:$0x3FB6];
	_ =	sdelay $0x3  }
0x37: {  	[smem:$0x3FB6] =	sst s10  }
0x38: {  	s10 =	sld [smem:$0x3FB7]  }
0x39: {  	_ = 	snop;
	(pc) =	sbr.ind lr, $3  }
0x3a: {  	_ = 	snop  }
0x3b: {  	_ = 	snop  }
0x3c: {  	p2 =	seq.s32 s10, $0x1;
	s10 =	sld [smem:$0x3FB6]  }
0x3d: {  	_ =	shalt  }
0x3e: {  	_ =	shalt  }
0x3f: {  	_ =	shalt  }
0x40: {  	_ =	shalt  }
0x41: {  	_ =	shalt  }
0x42: {  	_ =	shalt  }
0x43: {  	_ =	shalt  }
0x44: {  	_ =	shalt  }
0x45: {  	_ =	shalt  }
0x46: {  	_ =	shalt  }
0x47: {  	_ =	shalt  }
0x48: {  	_ =	shalt  }
0x49: {  	_ =	shalt  }
0x4a: {  	_ =	shalt  }
0x4b: {  	_ =	shalt  }
0x4c: {  	_ =	shalt  }
0x4d: {  	_ =	shalt  }
0x4e: {  	_ =	shalt  }
0x4f: {  	_ =	shalt  }
0x50: {  	_ =	shalt  }
0x51: {  	_ =	shalt  }
0x52: {  	_ =	shalt  }
0x53: {  	_ =	shalt  }
0x54: {  	_ =	shalt  }
0x55: {  	_ =	shalt  }
0x56: {  	_ =	shalt  }
0x57: {  	_ =	shalt  }
0x58: {  	_ =	shalt  }
0x59: {  	_ =	shalt  }
0x5a: {  	_ =	shalt  }
0x5b: {  	_ =	shalt  }
0x5c: {  	_ =	shalt  }
0x5d: {  	_ =	shalt  }
0x5e: {  	_ =	shalt  }
0x5f: {  	_ =	shalt  }
0x60: {  	_ =	shalt  }
0x61: {  	_ =	shalt  }
0x62: {  	_ =	shalt  }
0x63: {  	_ =	shalt  }
0x64: {  	_ =	shalt  }
0x65: {  	_ =	shalt  }
0x66: {  	_ =	shalt  }
0x67: {  	_ =	shalt  }
0x68: {  	_ =	shalt  }
0x69: {  	_ =	shalt  }
0x6a: {  	_ =	shalt  }
0x6b: {  	_ =	shalt  }
0x6c: {  	_ =	shalt  }
0x6d: {  	_ =	shalt  }
0x6e: {  	_ =	shalt  }
0x6f: {  	_ =	shalt  }
0x70: {  	_ =	shalt  }
0x71: {  	_ =	shalt  }
0x72: {  	_ =	shalt  }
0x73: {  	_ =	shalt  }
0x74: {  	_ =	shalt  }
0x75: {  	_ =	shalt  }
0x76: {  	_ =	shalt  }
0x77: {  	_ =	shalt  }
0x78: {  	_ =	shalt  }
0x79: {  	_ =	shalt  }
0x7a: {  	_ =	shalt  }
0x7b: {  	_ =	shalt  }
0x7c: {  	_ =	shalt  }
0x7d: {  	_ =	shalt  }
0x7e: {  	_ =	shalt  }
0x7f: {  	_ =	shalt  }
0x80: {  	_ =	shalt  }
0x81: {  	_ =	shalt  }
0x82: {  	_ =	shalt  }
0x83: {  	_ =	shalt  }
0x84: {  	_ =	shalt  }
0x85: {  	_ =	shalt  }
0x86: {  	_ =	shalt  }
0x87: {  	_ =	shalt  }
.Lfunc_end0:
.L_simem_size_0:
called_computation.2_lowered:
.L_overlay_start_0:
0x88: {  	s2 =	sld [smem:$0x3FD9]  }
0x89: {  	s3 =	sld [smem:$0x3FFE];
	_ =	sdelay $0x1  }
0x8a: {  	s1 =	srdreg.scid  }
0x8b: {  	s0 =	sand.u32 $0x1, s1  }
0x8c: {  	s17 =	sshll.u32 s0, $0xA;
	s2 =	sadd.s32 s3, s2  }
0x8d: {  	s2 =	sadd.s32 s2, s17  }
0x8e: {  	[smem:$0x3FC2] =	sst s2  }
0x8f: {  	_ = 	snop  }
0x90: {  	s2 =	sld [smem:$0x3FD0];
	(tm) =	ssettm $0x1  }
0x91: {  	s18 =	sld [smem:$0x3FFB];
	_ =	sdelay $0x3  }
0x92: {  	_ =	strace s18  }
0x93: {  	s3 =	sld [smem:$0x3FFC];
	_ =	sdelay $0x3  }
0x94: {  	_ =	strace s3  }
0x95: {  	s3 =	sld [smem:$0x3FFD];
	_ =	sdelay $0x3  }
0x96: {  	_ =	strace s3  }
0x97: {  	_ =	strace $0x8FFFFFFF  }
0x98: {  	s19 =	sld [smem:$0x3FDB];
	_ =	sdelay $0x1  }
0x99: {  	s4 =	simm.s32 $_scs_section_size  }
0x9a: {  	s5 =	simm.s32 $_size__tile_overlayer_lowered;
	s6 =	simm.s32 $_tile_overlayer_lowered  }
0x9b: {  	s22 =	simm.s32 $0x1BFF;
	s21 =	sshll.u32 s6, $0x1;
	s3 =	sadd.s32 s4, s19  }
0x9c: {  	s7 =	simm.s32 $0x0;
	s20 =	sshll.u32 s5, $0x1;
	s5 =	sadd.s32 s21, s3  }
0x9d: {  	[timem:s7], [sflag:s22] =	dma.local [hbm:s5], s20  }
0x9e: {  	_ =	swait.ge [sflag:s22], s20  }
0x9f: {  	s4 =	ssub.s32 $0x0, s20;
	[sflag:s22] =	ssyncset.done $0x0  }
0xa0: {  	[sflag:s22] =	ssyncadd.s32 s4;
	_ =	sdelay $0x1  }
0xa1: {  	s23 =	simm.s32 $0x1B8B  }
0xa2: {  	_ =	swait.ge [sflag:s23], $0x1  }
0xa3: {  	[sflag:s23] =	ssyncset.done $0x0  }
0xa4: {  	s25 =	simm.s32 $0x1B8E;
	s24 =	sld [smem:$0x3FFE];
	[sflag:s23] =	ssyncadd.s32 $0xFFFFFFFF  }
0xa5: {  	s26 =	simm.s32 $execute0_lowered;
	[smem:$0x3FD2] =	sst s25  }
0xa6: {  	s5 =	sshll.u32 s26, $0x1;
	_ =	strace $0x8000004C;
	[dreg:$0x1] =	wrdreg $0xFFFFFFFF  }
0xa7: {  	s28 =	simm.s32 $_size_execute0_lowered;
	s3 =	sadd.s32 s3, s5;
	[dreg:$0x0] =	wrdreg $0x0  }
0xa8: {  	s5 =	sshll.u32 s28, $0x1;
	[dreg:$0x2] =	wrdreg s3  }
0xa9: {  	[dreg:$0x3] =	wrdreg s5  }
0xaa: {  	[dreg:$0x4] =	wrdreg $0xC0  }
0xab: {  	_ =	task [dreg:s7], $0x5FFFF  }
0xac: {  	[dreg:$0x1] =	wrdreg $0xFFFFFFFF  }
0xad: {  	[dreg:$0x0] =	wrdreg $0x60  }
0xae: {  	[dreg:$0x2] =	wrdreg s2  }
0xaf: {  	[dreg:$0x3] =	wrdreg s24  }
0xb0: {  	[dreg:$0x4] =	wrdreg $0x0  }
0xb1: {  	[dreg:$0x5] =	wrdreg $0x9  }
0xb2: {  	_ =	task.clear_ibuf [dreg:s7], $0x6FFFF;
	_ =	strace $0x9000004C  }
0xb3: {  	s29 =	simm.s32 $0x9;
	_ =	strace $0x8000004E  }
0xb4: {  	_ =	swait.ge [sflag:s29], $0x1  }
0xb5: {  	[sflag:s29] =	ssyncadd.s32 $0xFFFFFFFF  }
0xb6: {  	_ =	strace $0x9000004E  }
0xb7: {  	_ =	sfence  }
0xb8: {  	s30 =	sld [smem:$0x0];
	_ =	sdelay $0x2  }
0xb9: {  	s31 =	sshll.u32 s1, $0xD;
	s1 =	sshrl.u32 s1, $0x2  }
0xba: {  	s3 =	sand.u32 $0x4000, s31;
	s1 =	sadd.s32 s1, s30  }
0xbb: {  	s0 =	sor.u32 s3, s0;
	s1 =	sshll.u32 s1, $0x11  }
0xbc: {  	s0 =	sor.u32 s1, s0  }
0xbd: {  	s0 =	sadd.s32 $0x8F2B, s0  }
0xbe: {  	[sflag:s0] =	ssyncadd.remote.s32 $0x1  }
0xbf: {  	_ =	sfence.sel $0xFFFF  }
0xc0: {  	[dreg:$0x0] =	wrdreg $0xFFFFFFFF;
	(pc) =	sbr.abs _section_cstart, $3  }
0xc1: {  	[dreg:$0x1] =	wrdreg $0xFFFFFFFF  }
0xc2: {  	_ =	task.clear_ibuf [dreg:s7], $0x2FFFF;
	_ =	strace $0x9FFFFFFF  }
0xc3: {  	(tm) =	ssettm $0x7FFFFFFF  }
tec
execute0_lowered:
.L_overlay_start_1:
0x0: {  	(tag) =	ssettag $0x1  }
0x1: {  	s1 =	rddreg [dreg:$0x0];
	s0 =	srdreg.scid  }
0x2: {  	s2 =	rddreg [dreg:$0x1];
	s19 =	stileid.u32  }
0x3: {  	s3 =	rddreg [dreg:$0x2];
	s4 =	simm.s32 $0x0;
	s7 =	smul.u32 $0x2710, s19  }
0x4: {  	s28 =	simm.s32 $0x14100;
	s5 =	sand.u32 $0x1, s0;
	s13 =	smul.u32 $0x14000, s19  }
0x5: {  	s29 =	simm.s32 $0x1;
	s30 =	simm.s32 $0x0;
	s6 =	smul.u32 $0x27100, s5  }
0x6: {  	[smem:$0x7FF] =	sst s4;
	s14 =	smul.u32 $0x140000, s5;
	s5 =	ssub.s32 $0x2, s5  }
0x7: {  	s20 =	smul.u32 $0x50000, s19;
	_ =	strace $0x8000004D;
	s8 =	sshrl.u32 s5, $0x1  }
0x8: {  	s15 =	sadd.s32 $0x4000, s13;
	s16 =	sadd.s32 $0x8000, s13;
	s18 =	sadd.s32 $0xC000, s13  }
0x9: {  	s19 =	sadd.s32 $0x10000, s13;
	s6 =	sadd.s32 s7, s6;
	s21 =	sadd.s32 s14, s13  }
0xa: {  	s8 =	ssub.s32 s5, s8;
	s12 =	sadd.s32 s14, s15;
	s24 =	sadd.s32 s14, s16  }
0xb: {  	s25 =	sadd.s32 s14, s18;
	s14 =	sadd.s32 s14, s19;
	s31 =	sadd.s32 s19, s3  }
0xc: {  	s19 =	simm.s32 $0x2;
	s6 =	sshrl.u32 s6, $0x3;
	s7 =	sshrl.u32 s21, $0x3  }
0xd: {  	s23 =	smax.u32 s8, $0x1;
	s12 =	sshrl.u32 s12, $0x3;
	s26 =	sshrl.u32 s14, $0x3  }
0xe: {  	s21 =	simm.s32 $0x14080;
	s17 =	sadd.s32 s6, s2;
	s2 =	sadd.s32 $0x15A00, s2  }
0xf: {  	s6 =	sshrl.u32 s20, $0x2;
	[dreg:$0x5] =	wrdreg s23;
	s23 =	sadd.s32 s16, s3  }
0x10: {  	s20 =	simm.s32 $0x14000;
	s5 =	sadd.s32 s6, s3;
	s22 =	sadd.s32 s2, s7  }
0x11: {  	s12 =	sadd.s32 s2, s12;
	s16 =	sadd.s32 $0x1E00, s17;
	s17 =	sadd.s32 $0xBC00, s17  }
0x12: {  	s23 =	sshrl.u32 s23, $0x3;
	[dreg:$0x4] =	wrdreg s22;
	s8 =	sadd.s32 $0x4000, s5  }
0x13: {  	s9 =	sadd.s32 $0x8000, s5;
	s10 =	sadd.s32 $0xC000, s5;
	s11 =	sadd.s32 $0x10000, s5  }
0x14: {  	s22 =	sadd.s32 s15, s3;
	s15 =	sshrl.u32 s24, $0x3;
	s24 =	sadd.s32 s18, s3  }
0x15: {  	s18 =	simm.s32 $0x16900;
	s13 =	sadd.s32 s2, s15;
	s15 =	sshrl.u32 s25, $0x3  }
0x16: {  	s22 =	sshrl.u32 s22, $0x3;
	s24 =	sshrl.u32 s24, $0x3;
	s25 =	sshrl.u32 s31, $0x3  }
0x17: {  	v0 =	vimm.f32 $0.0e+00;
	s14 =	sadd.s32 s2, s15;
	s15 =	sadd.s32 s2, s26;
	s26 =	simm.s32 $0x50  }
.LBB2_1:
0x18: {  	s31 =	simm.s32 $0x0;
	s2 =	simm.s32 $0x200  }
.LBB2_2:
0x19: {  	p0 =	sne.s32 s2, $0xFE00;
	[tilespmem:s31+$0x16970] =	vst v0  }
0x1a: {  	[tilespmem:s31+$0x16900] =	vst v0  }
0x1b: {  	[tilespmem:s31+$0x16910] =	vst v0  }
.Ltmp0:
0x1c: {  	[tilespmem:s31+$0x16920] =	vst v0;
	(pc) =	sbr.rel @p0 .LBB2_2-.Ltmp0, $4  }
0x1d: {  	[tilespmem:s31+$0x16930] =	vst v0  }
0x1e: {  	[tilespmem:s31+$0x16940] =	vst v0  }
0x1f: {  	[tilespmem:s31+$0x16950] =	vst v0  }
0x20: {  	[tilespmem:s31+$0x16960] =	vst v0;
	s31 =	sshra.s32 s2, $0x2;
	s2 =	sadd.s32 $0x200, s2  }
0x21: {  	[tilespmem:s31+$0x16970] =	vst v0  }
0x22: {  	[tilespmem:s31+$0x16900] =	vst v0  }
0x23: {  	[tilespmem:s31+$0x16910] =	vst v0  }
0x24: {  	[tilespmem:s31+$0x16920] =	vst v0  }
0x25: {  	[tilespmem:s31+$0x16930] =	vst v0  }
0x26: {  	[tilespmem:s31+$0x16940] =	vst v0  }
0x27: {  	[tilespmem:s31+$0x16950] =	vst v0  }
0x28: {  	[tilespmem:s31+$0x16960] =	vst v0  }
0x29: {  	[spmem:s5] =	stream.linear.scatter [tilespmem:s18], [sflag:$0x2], $0x4000, $0x38;
	[tilespmem:$0x1A900] =	vst v63  }
0x2a: {  	_ =	swait.ge [sflag:s19], $0x4000  }
0x2b: {  	[sflag:s19] =	ssyncset.done $0x0  }
0x2c: {  	[sflag:s19] =	ssyncadd.s32 $0xFFFFC000  }
0x2d: {  	[spmem:s8] =	stream.linear.scatter [tilespmem:s18], [sflag:$0x2], $0x4000, $0x38;
	[tilespmem:$0x1A900] =	vst v63  }
0x2e: {  	_ =	swait.ge [sflag:s19], $0x4000  }
0x2f: {  	[sflag:s19] =	ssyncset.done $0x0  }
0x30: {  	[sflag:s19] =	ssyncadd.s32 $0xFFFFC000  }
0x31: {  	[spmem:s9] =	stream.linear.scatter [tilespmem:s18], [sflag:$0x2], $0x4000, $0x38;
	[tilespmem:$0x1A900] =	vst v63  }
0x32: {  	_ =	swait.ge [sflag:s19], $0x4000  }
0x33: {  	[sflag:s19] =	ssyncset.done $0x0  }
0x34: {  	[sflag:s19] =	ssyncadd.s32 $0xFFFFC000  }
0x35: {  	[spmem:s10] =	stream.linear.scatter [tilespmem:s18], [sflag:$0x2], $0x4000, $0x38;
	[tilespmem:$0x1A900] =	vst v63  }
0x36: {  	_ =	swait.ge [sflag:s19], $0x4000  }
0x37: {  	[sflag:s19] =	ssyncset.done $0x0  }
0x38: {  	[sflag:s19] =	ssyncadd.s32 $0xFFFFC000  }
0x39: {  	[spmem:s11] =	stream.linear.scatter [tilespmem:s18], [sflag:$0x2], $0x4000, $0x38;
	[tilespmem:$0x1A900] =	vst v63  }
0x3a: {  	_ =	swait.ge [sflag:s19], $0x4000  }
0x3b: {  	[sflag:s19] =	ssyncset.done $0x0  }
0x3c: {  	[sflag:s19] =	ssyncadd.s32 $0xFFFFC000  }
0x3d: {  	s2 =	sadd.s32 $0x0, s17;
	[bflag:$0x0] =	sbarrier.arrive $0xFFFF  }
0x3e: {  	[tilespmem:s20], [sflag:$0x2] =	stream.linear.gather [hbm4b:s2+s4], $0x50, $0x38;
	[tilespmem:$0x1A900] =	vst v63  }
0x3f: {  	_ =	swait.ge [sflag:s19], $0x50  }
0x40: {  	[sflag:s19] =	ssyncset.done $0x0  }
0x41: {  	s7 =	sadd.s32 $0x0, s16;
	[sflag:s19] =	ssyncadd.s32 $0xFFFFFFB0  }
0x42: {  	[tilespmem:s21], [sflag:$0x2] =	stream.linear.gather [hbm4b:s7+s4], $0x50, $0x38;
	[tilespmem:$0x1A900] =	vst v63  }
0x43: {  	_ =	swait.ge [sflag:s19], $0x50  }
0x44: {  	[sflag:s19] =	ssyncset.done $0x0  }
0x45: {  	[sflag:s19] =	ssyncadd.s32 $0xFFFFFFB0  }
0x46: {  	[tilespmem:s28], [sflag:$0x1] =	stream.indirect.gather [hbm4b:s1+s26], $0x80, s20, s26, $0xb8;
	[tilespmem:$0x1A900] =	vst v63  }
0x47: {  	_ =	swait.ge [sflag:s29], $0x2800  }
0x48: {  	[sflag:s29] =	ssyncset.done $0x0  }
0x49: {  	[sflag:s29] =	ssyncadd.s32 $0xFFFFD800  }
0x4a: {  	[spmem:s3] =	stream.indirect.scatter.add.f32 [tilespmem:s28], [sflag:$0x2], $0x80, s21, s26, $0xb8;
	[tilespmem:$0x1A900] =	vst v63  }
0x4b: {  	_ =	swait.ge [sflag:s19], $0x2800  }
0x4c: {  	s31 =	simm.s32 $0xA;
	s2 =	simm.s32 $0x14;
	[sflag:s19] =	ssyncset.done $0x0  }
.LBB2_4:
0x4d: {  	s0 =	sadd.s32 s31, s17  }
0x4e: {  	[sflag:s19] =	ssyncadd.s32 $0xFFFFD800;
	s6 =	smov.u32 s2;
	s7 =	sadd.s32 $0xA, s2  }
0x4f: {  	[tilespmem:s20], [sflag:$0x2] =	stream.linear.gather [hbm4b:s0+s4], $0x50, $0x38;
	[tilespmem:$0x1A900] =	vst v63  }
0x50: {  	p0 =	sne.s32 s2, $0x4D8;
	_ =	swait.ge [sflag:s19], $0x50  }
0x51: {  	[sflag:s19] =	ssyncset.done $0x0  }
0x52: {  	s0 =	sadd.s32 s31, s16;
	s31 =	smov.u32 s6;
	[sflag:s19] =	ssyncadd.s32 $0xFFFFFFB0  }
0x53: {  	[tilespmem:s21], [sflag:$0x2] =	stream.linear.gather [hbm4b:s0+s4], $0x50, $0x38;
	[tilespmem:$0x1A900] =	vst v63  }
0x54: {  	_ =	swait.ge [sflag:s19], $0x50  }
0x55: {  	[sflag:s19] =	ssyncset.done $0x0  }
0x56: {  	[sflag:s19] =	ssyncadd.s32 $0xFFFFFFB0  }
0x57: {  	[tilespmem:s28], [sflag:$0x1] =	stream.indirect.gather [hbm4b:s1+s26], $0x80, s20, s26, $0xb8;
	[tilespmem:$0x1A900] =	vst v63  }
0x58: {  	_ =	swait.ge [sflag:s29], $0x2800  }
.Ltmp1:
0x59: {  	[sflag:s29] =	ssyncset.done $0x0;
	(pc) =	sbr.rel @p0 .LBB2_4-.Ltmp1, $4  }
0x5a: {  	[sflag:s29] =	ssyncadd.s32 $0xFFFFD800  }
0x5b: {  	[spmem:s3] =	stream.indirect.scatter.add.f32 [tilespmem:s28], [sflag:$0x2], $0x80, s21, s26, $0xb8;
	[tilespmem:$0x1A900] =	vst v63  }
0x5c: {  	_ =	swait.ge [sflag:s19], $0x2800  }
0x5d: {  	s2 =	smov.u32 s7;
	[sflag:s19] =	ssyncset.done $0x0  }
0x5e: {  	s0 =	sadd.s32 s31, s17;
	[sflag:s19] =	ssyncadd.s32 $0xFFFFD800  }
0x5f: {  	[tilespmem:s20], [sflag:$0x2] =	stream.linear.gather [hbm4b:s0+s4], $0x50, $0x38;
	[tilespmem:$0x1A900] =	vst v63  }
0x60: {  	_ =	swait.ge [sflag:s19], $0x50  }
0x61: {  	[sflag:s19] =	ssyncset.done $0x0  }
0x62: {  	s6 =	sadd.s32 s31, s16;
	[sflag:s19] =	ssyncadd.s32 $0xFFFFFFB0  }
0x63: {  	[tilespmem:s21], [sflag:$0x2] =	stream.linear.gather [hbm4b:s6+s4], $0x50, $0x38;
	[tilespmem:$0x1A900] =	vst v63  }
0x64: {  	_ =	swait.ge [sflag:s19], $0x50  }
0x65: {  	[sflag:s19] =	ssyncset.done $0x0  }
0x66: {  	[sflag:s19] =	ssyncadd.s32 $0xFFFFFFB0  }
0x67: {  	[tilespmem:s28], [sflag:$0x1] =	stream.indirect.gather [hbm4b:s1+s26], $0x80, s20, s26, $0xb8;
	[tilespmem:$0x1A900] =	vst v63  }
0x68: {  	_ =	swait.ge [sflag:s29], $0x2800  }
0x69: {  	[sflag:s29] =	ssyncset.done $0x0  }
0x6a: {  	[sflag:s29] =	ssyncadd.s32 $0xFFFFD800  }
0x6b: {  	[spmem:s3] =	stream.indirect.scatter.add.f32 [tilespmem:s28], [sflag:$0x2], $0x80, s21, s26, $0xb8;
	[tilespmem:$0x1A900] =	vst v63  }
0x6c: {  	_ =	swait.ge [sflag:s19], $0x2800  }
0x6d: {  	[sflag:s19] =	ssyncset.done $0x0  }
0x6e: {  	s7 =	stileid.u32;
	[sflag:s19] =	ssyncadd.s32 $0xFFFFD800  }
0x6f: {  	s0 =	sshll.u32 s7, $0x6;
	[bflag:$0x0] =	sbarrier.arrive $0xFFFF  }
0x70: {  	s2 =	sshrl.u32 s5, $0x3;
	s0 =	sor.u32 $0x1C02, s0;
	s6 =	rddreg [dreg:$0x4]  }
0x71: {  	[hbm:s6], [sflag:s0] =	dma.local [spmem:s2], $0x800  }
0x72: {  	_ =	swait.ge [sflag:s19], $0x800  }
0x73: {  	[sflag:s19] =	ssyncset.done $0x0  }
0x74: {  	[sflag:s19] =	ssyncadd.s32 $0xFFFFF800  }
0x75: {  	[hbm:s12], [sflag:s0] =	dma.local [spmem:s22], $0x800  }
0x76: {  	_ =	swait.ge [sflag:s19], $0x800  }
0x77: {  	[sflag:s19] =	ssyncset.done $0x0  }
0x78: {  	[sflag:s19] =	ssyncadd.s32 $0xFFFFF800  }
0x79: {  	[hbm:s13], [sflag:s0] =	dma.local [spmem:s23], $0x800  }
0x7a: {  	_ =	swait.ge [sflag:s19], $0x800  }
0x7b: {  	[sflag:s19] =	ssyncset.done $0x0  }
0x7c: {  	[sflag:s19] =	ssyncadd.s32 $0xFFFFF800  }
0x7d: {  	[hbm:s14], [sflag:s0] =	dma.local [spmem:s24], $0x800  }
0x7e: {  	_ =	swait.ge [sflag:s19], $0x800  }
0x7f: {  	[sflag:s19] =	ssyncset.done $0x0  }
0x80: {  	[sflag:s19] =	ssyncadd.s32 $0xFFFFF800  }
0x81: {  	[hbm:s15], [sflag:s0] =	dma.local [spmem:s25], $0x800  }
0x82: {  	_ =	swait.ge [sflag:s19], $0x800  }
0x83: {  	s30 =	sadd.s32 $0x1, s30;
	s31 =	rddreg [dreg:$0x5]  }
0x84: {  	p0 =	sne.s32 s30, s31  }
.Ltmp2:
0x85: {  	_ = 	snop;
	(pc) =	sbr.rel @p0 .LBB2_1-.Ltmp2, $3  }
0x86: {  	_ =	sdelay $0x1  }
0x87: {  	[sflag:s19] =	ssyncset.done $0x0  }
0x88: {  	[sflag:s19] =	ssyncadd.s32 $0xFFFFF800  }
0x89: {  	_ =	sfence.sel $0x180000  }
0x8a: {  	[bflag:$0x0] =	sbarrier.arrive $0xFFFF  }
0x8b: {  	_ =	strace $0x9000004D  }
0x8c: {  	s0 =	stileid.u32;
	[bflag:$0x2] =	sbarrier.arrive $0xFFFF  }
0x8d: {  	p0 =	sne.s32 s0, $0x0;
	s0 =	rddreg [dreg:$0x3]  }
0x8e: {  	s0 =	sadd.s32 @!p0 $0x100000, s0  }
0x8f: {  	[sflag:s0] =	ssyncadd.tile.s32 @!p0 $0x1;
	_ =	shalt  }
.Lfunc_end2:
_tile_overlayer_lowered:
.L_overlay_start_2:
0x90: {  	(tag) =	ssettag $0x2  }
0x91: {  	s0 =	rddreg [dreg:$0x0];
	s2 =	stileid.u32  }
0x92: {  	s1 =	rddreg [dreg:$0x1];
	p0 =	sne.s32 s2, $0x0  }
0x93: {  	s3 =	rddreg [dreg:$0x2];
	[bflag:$0x3] =	sbarrier.arrive $0xFFFF;
	s2 =	simm.s32 @!p0 $0x1C02  }
0x94: {  	[timem:s3], [sflag:s2] =	dma.local @!p0 [hbm:s0], s1  }
0x95: {  	s0 =	simm.s32 @!p0 $0x2  }
0x96: {  	_ =	swait.ge @!p0 [sflag:s0], s1  }
0x97: {  	s1 =	ssub.s32 @!p0 $0x0, s1;
	[sflag:s0] =	ssyncset.done @!p0 $0x0  }
0x98: {  	[sflag:s0] =	ssyncadd.s32 @!p0 s1  }
0x99: {  	[bflag:$0x3] =	sbarrier.arrive $0xFFFF  }
0x9a: {  	_ =	shalt  }

// kernel: kernel.9.cloned.1.call-start
scs
__scs_entry_jumppad:
0x0: {  	(pc) =	sbr.rel $0x88, $3  }
0x1: {  	(tag) =	ssettag $0x0;
	lr =	simm.s32 $0x1  }
0x2: {  	[smem:$0x3F9B] =	sst lr;
	_ =	strace $0xD0000000  }
0x3: {  	_ = 	snop  }
0x4: {  	_ = 	snop  }
0x5: {  	_ = 	snop  }
0x6: {  	_ = 	snop  }
0x7: {  	_ = 	snop  }
__scs_overlays_trampoline_lowered:
0x8: {  	[smem:$0x3FAA] =	sst s0  }
0x9: {  	[smem:$0x3FAB] =	sst s1  }
0xa: {  	[smem:$0x3FAC] =	sst s2  }
0xb: {  	[smem:$0x3FAD] =	sst s3  }
0xc: {  	[smem:$0x3FAE] =	sst s4  }
0xd: {  	[smem:$0x3FAF] =	sst s5  }
0xe: {  	[smem:$0x3FB0] =	sst s6  }
0xf: {  	[smem:$0x3FB1] =	sst s7  }
0x10: {  	[smem:$0x3FB2] =	sst s8  }
0x11: {  	[smem:$0x3FB3] =	sst s9;
	s0 =	simm.s32 @!p0 $0x0  }
0x12: {  	s1 =	sld [smem:$0x3F99];
	s0 =	simm.s32 @p0 $0x1  }
0x13: {  	[smem:$0x3FB4] =	sst s0;
	s0 =	simm.s32 @!p1 $0x0  }
0x14: {  	s2 =	sld [smem:$0x3F98];
	s0 =	simm.s32 @p1 $0x1  }
0x15: {  	[smem:$0x3FB5] =	sst s0;
	s0 =	simm.s32 @!p2 $0x0  }
0x16: {  	s3 =	sld [smem:$0x3FDB];
	s0 =	simm.s32 @p2 $0x1  }
0x17: {  	s4 =	simm.s32 $0x1BF5;
	[smem:$0x3FB7] =	sst s0  }
0x18: {  	s0 =	sld [smem:$0x3F9A];
	_ =	swait.ge [sflag:s4], $0x0  }
0x19: {  	s7 =	sld [smem:$0x3F9B]  }
0x1a: {  	s8 =	sadd.s32 $0xFFFFE003, lr  }
0x1b: {  	s9 =	sadd.s32 $0xFFFFFEF7, lr;
	s5 =	simm.s32 $0xFFFFFFFF;
	p2 =	slt.u32 s8, $0xFFFFF086  }
0x1c: {  	p1 =	slt.u32 s9, $0xF7A;
	s5 =	simm.s32 @!p2 $0x0  }
0x1d: {  	s5 =	simm.s32 @p1 $0x1;
	p0 =	seq.s32 s7, s2  }
0x1e: {  	s7 =	smul.u32 @!p0 $0xF7A, s2;
	p2 =	seq.s32 @!p0 s5, $0x0  }
0x1f: {  	s9 =	smul.u32 $0xF7A, s1;
	s8 =	simm.s32 @!p0 $0x1BF5;
	p2 =	por !p2, p0  }
0x20: {  	[sflag:s8] =	ssyncset.s32 @!p0 $0xFFFFF086;
	s6 =	sadd.s32 @!p0 s3, s7;
	s7 =	simm.s32 @!p0 $0x108  }
0x21: {  	s3 =	sadd.s32 s3, s9;
	s6 =	sadd.s32 @!p0 $0x88, s6;
	s7 =	simm.s32 @p2 $0x1082  }
0x22: {  	[simem:s7], [sflag:s8] =	dma.local @!p0 [hbm:s6], $0xF7A  }
0x23: {  	s9 =	sor.u32 $0xD0000000, s2;
	s6 =	simm.s32 $0x108;
	_ =	swait.ge @!p0 [sflag:s8], $0x0  }
0x24: {  	s3 =	sadd.s32 $0x88, s3;
	s6 =	simm.s32 @!p1 $0x1082;
	[sflag:s4] =	ssyncset.s32 $0xFFFFF086  }
0x25: {  	[simem:s6], [sflag:s4] =	dma.local [hbm:s3], $0xF7A  }
0x26: {  	[smem:$0x3F9B] =	sst s1;
	(tag) =	ssettag s2;
	_ =	strace s9  }
0x27: {  	s1 =	sld [smem:$0x3FAB]  }
0x28: {  	s2 =	sld [smem:$0x3FAC]  }
0x29: {  	s4 =	sld [smem:$0x3FAE]  }
0x2a: {  	p0 =	seq.s32 s5, $0x0;
	s5 =	sld [smem:$0x3FAF]  }
0x2b: {  	s6 =	sld [smem:$0x3FB0]  }
0x2c: {  	s7 =	sld [smem:$0x3FB1]  }
0x2d: {  	s3 =	simm.s32 $0x108;
	s8 =	sld [smem:$0x3FB2]  }
0x2e: {  	s3 =	simm.s32 @!p0 $0x1082;
	s9 =	sld [smem:$0x3FB3]  }
0x2f: {  	lr =	sadd.s32 s0, s3;
	s0 =	sld [smem:$0x3FAA]  }
0x30: {  	s3 =	sld [smem:$0x3FAD]  }
0x31: {  	[smem:$0x3FB6] =	sst s10  }
0x32: {  	s10 =	sld [smem:$0x3FB4];
	_ =	sdelay $0x3  }
0x33: {  	p0 =	seq.s32 s10, $0x1;
	s10 =	sld [smem:$0x3FB6];
	_ =	sdelay $0x3  }
0x34: {  	[smem:$0x3FB6] =	sst s10  }
0x35: {  	s10 =	sld [smem:$0x3FB5];
	_ =	sdelay $0x3  }
0x36: {  	p1 =	seq.s32 s10, $0x1;
	s10 =	sld [smem:$0x3FB6];
	_ =	sdelay $0x3  }
0x37: {  	[smem:$0x3FB6] =	sst s10  }
0x38: {  	s10 =	sld [smem:$0x3FB7]  }
0x39: {  	_ = 	snop;
	(pc) =	sbr.ind lr, $3  }
0x3a: {  	_ = 	snop  }
0x3b: {  	_ = 	snop  }
0x3c: {  	p2 =	seq.s32 s10, $0x1;
	s10 =	sld [smem:$0x3FB6]  }
0x3d: {  	_ =	shalt  }
0x3e: {  	_ =	shalt  }
0x3f: {  	_ =	shalt  }
0x40: {  	_ =	shalt  }
0x41: {  	_ =	shalt  }
0x42: {  	_ =	shalt  }
0x43: {  	_ =	shalt  }
0x44: {  	_ =	shalt  }
0x45: {  	_ =	shalt  }
0x46: {  	_ =	shalt  }
0x47: {  	_ =	shalt  }
0x48: {  	_ =	shalt  }
0x49: {  	_ =	shalt  }
0x4a: {  	_ =	shalt  }
0x4b: {  	_ =	shalt  }
0x4c: {  	_ =	shalt  }
0x4d: {  	_ =	shalt  }
0x4e: {  	_ =	shalt  }
0x4f: {  	_ =	shalt  }
0x50: {  	_ =	shalt  }
0x51: {  	_ =	shalt  }
0x52: {  	_ =	shalt  }
0x53: {  	_ =	shalt  }
0x54: {  	_ =	shalt  }
0x55: {  	_ =	shalt  }
0x56: {  	_ =	shalt  }
0x57: {  	_ =	shalt  }
0x58: {  	_ =	shalt  }
0x59: {  	_ =	shalt  }
0x5a: {  	_ =	shalt  }
0x5b: {  	_ =	shalt  }
0x5c: {  	_ =	shalt  }
0x5d: {  	_ =	shalt  }
0x5e: {  	_ =	shalt  }
0x5f: {  	_ =	shalt  }
0x60: {  	_ =	shalt  }
0x61: {  	_ =	shalt  }
0x62: {  	_ =	shalt  }
0x63: {  	_ =	shalt  }
0x64: {  	_ =	shalt  }
0x65: {  	_ =	shalt  }
0x66: {  	_ =	shalt  }
0x67: {  	_ =	shalt  }
0x68: {  	_ =	shalt  }
0x69: {  	_ =	shalt  }
0x6a: {  	_ =	shalt  }
0x6b: {  	_ =	shalt  }
0x6c: {  	_ =	shalt  }
0x6d: {  	_ =	shalt  }
0x6e: {  	_ =	shalt  }
0x6f: {  	_ =	shalt  }
0x70: {  	_ =	shalt  }
0x71: {  	_ =	shalt  }
0x72: {  	_ =	shalt  }
0x73: {  	_ =	shalt  }
0x74: {  	_ =	shalt  }
0x75: {  	_ =	shalt  }
0x76: {  	_ =	shalt  }
0x77: {  	_ =	shalt  }
0x78: {  	_ =	shalt  }
0x79: {  	_ =	shalt  }
0x7a: {  	_ =	shalt  }
0x7b: {  	_ =	shalt  }
0x7c: {  	_ =	shalt  }
0x7d: {  	_ =	shalt  }
0x7e: {  	_ =	shalt  }
0x7f: {  	_ =	shalt  }
0x80: {  	_ =	shalt  }
0x81: {  	_ =	shalt  }
0x82: {  	_ =	shalt  }
0x83: {  	_ =	shalt  }
0x84: {  	_ =	shalt  }
0x85: {  	_ =	shalt  }
0x86: {  	_ =	shalt  }
0x87: {  	_ =	shalt  }
.Lfunc_end0:
.L_simem_size_0:
called_computation_lowered:
.L_overlay_start_0:
0x88: {  	s2 =	sld [smem:$0x3FD9]  }
0x89: {  	s3 =	sld [smem:$0x3FFE];
	_ =	sdelay $0x1  }
0x8a: {  	s1 =	srdreg.scid  }
0x8b: {  	s0 =	sand.u32 $0x1, s1  }
0x8c: {  	s16 =	sshll.u32 s0, $0xA;
	s2 =	sadd.s32 s3, s2  }
0x8d: {  	s2 =	sadd.s32 s2, s16  }
0x8e: {  	[smem:$0x3FC2] =	sst s2  }
0x8f: {  	_ = 	snop  }
0x90: {  	(tm) =	ssettm $0x1  }
0x91: {  	s17 =	sld [smem:$0x3FFB];
	_ =	sdelay $0x3  }
0x92: {  	_ =	strace s17  }
0x93: {  	s2 =	sld [smem:$0x3FFC];
	_ =	sdelay $0x3  }
0x94: {  	_ =	strace s2  }
0x95: {  	s2 =	sld [smem:$0x3FFD];
	_ =	sdelay $0x3  }
0x96: {  	_ =	strace s2  }
0x97: {  	_ =	strace $0x8FFFFFFF  }
0x98: {  	s18 =	sld [smem:$0x3FDB];
	_ =	sdelay $0x1  }
0x99: {  	s19 =	simm.s32 $_scs_section_size  }
0x9a: {  	s4 =	simm.s32 $_size__tile_overlayer_lowered;
	s5 =	simm.s32 $_tile_overlayer_lowered  }
0x9b: {  	s22 =	simm.s32 $0x1BFF;
	s21 =	sshll.u32 s5, $0x1;
	s2 =	sadd.s32 s19, s18  }
0x9c: {  	s6 =	simm.s32 $0x0;
	s20 =	sshll.u32 s4, $0x1;
	s4 =	sadd.s32 s21, s2  }
0x9d: {  	[timem:s6], [sflag:s22] =	dma.local [hbm:s4], s20  }
0x9e: {  	_ =	swait.ge [sflag:s22], s20  }
0x9f: {  	s3 =	ssub.s32 $0x0, s20;
	[sflag:s22] =	ssyncset.done $0x0  }
0xa0: {  	[sflag:s22] =	ssyncadd.s32 s3;
	_ =	sdelay $0x1  }
0xa1: {  	s23 =	simm.s32 $0x1B8B  }
0xa2: {  	_ =	swait.ge [sflag:s23], $0x1  }
0xa3: {  	[sflag:s23] =	ssyncset.done $0x0  }
0xa4: {  	s25 =	simm.s32 $0x1B8E;
	s24 =	sld [smem:$0x3FFE];
	[sflag:s23] =	ssyncadd.s32 $0xFFFFFFFF  }
0xa5: {  	s26 =	simm.s32 $execute0_lowered;
	[smem:$0x3FD2] =	sst s25  }
0xa6: {  	s4 =	sshll.u32 s26, $0x1;
	_ =	strace $0x80000046;
	[dreg:$0x1] =	wrdreg $0xFFFFFFFF  }
0xa7: {  	s28 =	simm.s32 $_size_execute0_lowered;
	s2 =	sadd.s32 s2, s4;
	[dreg:$0x0] =	wrdreg $0x0  }
0xa8: {  	s4 =	sshll.u32 s28, $0x1;
	[dreg:$0x2] =	wrdreg s2  }
0xa9: {  	[dreg:$0x3] =	wrdreg s4  }
0xaa: {  	[dreg:$0x4] =	wrdreg $0xC0  }
0xab: {  	_ =	task [dreg:s6], $0x5FFFF  }
0xac: {  	[dreg:$0x1] =	wrdreg $0xFFFFFFFF  }
0xad: {  	[dreg:$0x0] =	wrdreg $0x60  }
0xae: {  	[dreg:$0x2] =	wrdreg s24  }
0xaf: {  	[dreg:$0x3] =	wrdreg $0x9  }
0xb0: {  	_ =	task.clear_ibuf [dreg:s6], $0x4FFFF;
	_ =	strace $0x90000046  }
0xb1: {  	s29 =	simm.s32 $0x9;
	_ =	strace $0x80000048  }
0xb2: {  	_ =	swait.ge [sflag:s29], $0x1  }
0xb3: {  	[sflag:s29] =	ssyncadd.s32 $0xFFFFFFFF  }
0xb4: {  	_ =	strace $0x90000048  }
0xb5: {  	_ =	sfence  }
0xb6: {  	s30 =	sld [smem:$0x0];
	_ =	sdelay $0x2  }
0xb7: {  	s31 =	sshll.u32 s1, $0xD;
	s1 =	sshrl.u32 s1, $0x2  }
0xb8: {  	s3 =	sand.u32 $0x4000, s31;
	s1 =	sadd.s32 s1, s30  }
0xb9: {  	s0 =	sor.u32 s3, s0;
	s1 =	sshll.u32 s1, $0x11  }
0xba: {  	s0 =	sor.u32 s1, s0  }
0xbb: {  	s0 =	sadd.s32 $0x8F2B, s0  }
0xbc: {  	[sflag:s0] =	ssyncadd.remote.s32 $0x1  }
0xbd: {  	_ =	sfence.sel $0xFFFF  }
0xbe: {  	[dreg:$0x0] =	wrdreg $0xFFFFFFFF;
	(pc) =	sbr.abs _section_cstart, $3  }
0xbf: {  	[dreg:$0x1] =	wrdreg $0xFFFFFFFF  }
0xc0: {  	_ =	task.clear_ibuf [dreg:s6], $0x2FFFF;
	_ =	strace $0x9FFFFFFF  }
0xc1: {  	(tm) =	ssettm $0x7FFFFFFF  }
tec
execute0_lowered:
.L_overlay_start_1:
0x0: {  	(tag) =	ssettag $0x1  }
0x1: {  	s0 =	srdreg.scid  }
0x2: {  	s4 =	rddreg [dreg:$0x0];
	s1 =	stileid.u32  }
0x3: {  	s2 =	simm.s32 $0x0;
	s10 =	simm.s32 $0x14000;
	s3 =	sand.u32 $0x1, s0  }
0x4: {  	s11 =	simm.s32 $0x1;
	s12 =	simm.s32 $0x0;
	s5 =	sshll.u32 s3, $0x4  }
0x5: {  	s0 =	rddreg [dreg:$0x1];
	s3 =	ssub.s32 $0x2, s3;
	s5 =	sor.u32 s1, s5  }
0x6: {  	[smem:$0x7FF] =	sst s2;
	s8 =	sshrl.u32 s3, $0x1;
	s6 =	smul.u32 $0x4E2, s5  }
0x7: {  	_ =	strace $0x80000047;
	s7 =	smul.u32 $0x50000, s5;
	s9 =	ssub.s32 s3, s8  }
0x8: {  	v0 =	vlaneseq.u32;
	s5 =	smul.u32 $0xA000, s5;
	s9 =	smax.u32 s9, $0x1;
	s6 =	sadd.s32 s6, s4  }
0x9: {  	v0 =	vmul.u32 $0x1400, v0;
	s4 =	sadd.s32 $0x15A00, s4;
	s7 =	sshrl.u32 s7, $0x3;
	s3 =	sadd.s32 $0xBC00, s6  }
0xa: {  	s31 =	sadd.s32 s4, s7;
	s4 =	sadd.s32 s4, s5;
	s6 =	sadd.s32 $0x1E00, s6  }
0xb: {  	v1 =	vimm.f32 $0.0e+00;
	v2 =	vimm.f32 $1.000000000e+00;
	v3 =	vadd.s32 $0xFFFFEC00, v0;
	s5 =	sadd.s32 $0x2800, s31;
	s7 =	sadd.s32 $0x5000, s31;
	s8 =	sadd.s32 $0x7800, s31  }
.LBB2_1:
0xc: {  	[tilespmem:s10], [sflag:$0x1] =	stream.linear.gather [hbm4b:s3+s2], $0x2710, $0x38;
	[tilespmem:$0x16780] =	vst v63  }
0xd: {  	_ =	swait.ge [sflag:s11], $0x2710  }
0xe: {  	[sflag:s11] =	ssyncset.done $0x0  }
0xf: {  	s15 =	simm.s32 $0x40;
	[sflag:s11] =	ssyncadd.s32 $0xFFFFD8F0  }
0x10: {  	[tilespmem:s15+$0xFFFFFFC0] =	vst v1  }
0x11: {  	[tilespmem:s15+$0x30] =	vst v1  }
0x12: {  	[tilespmem:s15+$0x20] =	vst v1  }
0x13: {  	[tilespmem:s15+$0x10] =	vst v1  }
0x14: {  	[tilespmem:s15+$0x0] =	vst v1  }
0x15: {  	[tilespmem:s15+$0xFFFFFFF0] =	vst v1  }
0x16: {  	s16 =	simm.s32 $0x0;
	s13 =	simm.s32 $0x14020;
	[tilespmem:s15+$0xFFFFFFE0] =	vst v1  }
.LBB2_2:
0x17: {  	s16 =	sadd.s32 $0x8, s16;
	[tilespmem:s15+$0xFFFFFFD0] =	vst v1;
	s15 =	sadd.s32 $0x80, s15;
	s14 =	simm.s32 $0xFFFFFFFC  }
0x18: {  	[tilespmem:s15+$0xFFFFFFC0] =	vst v1;
	p0 =	slt.u32 s16, $0x13F8  }
0x19: {  	[tilespmem:s15+$0x30] =	vst v1  }
.Ltmp0:
0x1a: {  	[tilespmem:s15+$0x20] =	vst v1;
	(pc) =	sbr.rel @p0 .LBB2_2-.Ltmp0, $4  }
0x1b: {  	[tilespmem:s15+$0x10] =	vst v1  }
0x1c: {  	[tilespmem:s15+$0x0] =	vst v1  }
0x1d: {  	[tilespmem:s15+$0xFFFFFFF0] =	vst v1  }
0x1e: {  	[tilespmem:s15+$0xFFFFFFE0] =	vst v1  }
0x1f: {  	[tilespmem:s15+$0xFFFFFFD0] =	vst v1  }
.LBB2_4:
0x20: {  	v4 =	vld [tilespmem:s13+$0xFFFFFFE0];
	_ =	sdelay $0x4  }
0x21: {  	vm0 =	vlt.u32 v4, $0x1400  }
0x22: {  	v4 =	vadd.s32 v0, v4;
	_ =	sdelay $0x4  }
0x23: {  	[tilespmem:v4+s2+$0x0] =	vst.idx.add.f32.msk vm0, v2  }
0x24: {  	v4 =	vld [tilespmem:s13+$0xFFFFFFF0];
	_ =	sdelay $0x4  }
0x25: {  	vm13 =	vlt.u32 v4, $0x1400  }
0x26: {  	v4 =	vadd.s32 v0, v4;
	_ =	sdelay $0x4  }
0x27: {  	[tilespmem:v4+s2+$0x0] =	vst.idx.add.f32.msk vm13, v2  }
0x28: {  	v4 =	vld [tilespmem:s13+$0x0];
	_ =	sdelay $0x4  }
0x29: {  	vm14 =	vlt.u32 v4, $0x1400  }
0x2a: {  	v4 =	vadd.s32 v0, v4;
	_ =	sdelay $0x4  }
0x2b: {  	[tilespmem:v4+s2+$0x0] =	vst.idx.add.f32.msk vm14, v2  }
0x2c: {  	v4 =	vld [tilespmem:s13+$0x10];
	_ =	sdelay $0x4  }
0x2d: {  	s14 =	sadd.s32 $0x4, s14;
	vm15 =	vlt.u32 v4, $0x1400  }
0x2e: {  	p0 =	slt.u32 s14, $0x26C;
	v4 =	vadd.s32 v0, v4  }
.Ltmp1:
0x2f: {  	_ = 	snop;
	(pc) =	sbr.rel @p0 .LBB2_4-.Ltmp1, $2  }
0x30: {  	_ =	sdelay $0x2  }
0x31: {  	s13 =	sadd.s32 $0x40, s13;
	[tilespmem:v4+s2+$0x0] =	vst.idx.add.f32.msk vm15, v2  }
0x32: {  	v4 =	vld [tilespmem:$0x16700];
	_ =	sdelay $0x4  }
0x33: {  	vm0 =	vlt.u32 v4, $0x1400  }
0x34: {  	v4 =	vadd.s32 v0, v4;
	_ =	sdelay $0x4  }
0x35: {  	[tilespmem:v4+s2+$0x0] =	vst.idx.add.f32.msk vm0, v2  }
0x36: {  	[hbm4b:s4+s2] =	stream.linear.scatter [tilespmem:s2], [sflag:$0x1], $0x14000, $0x38;
	[tilespmem:$0x16780] =	vst v63  }
0x37: {  	_ =	swait.ge [sflag:s11], $0x14000  }
0x38: {  	[sflag:s11] =	ssyncset.done $0x0  }
0x39: {  	s13 =	simm.s32 $0x40;
	[sflag:s11] =	ssyncadd.s32 $0xFFFEC000  }
0x3a: {  	[tilespmem:s13+$0xFFFFFFC0] =	vst v1  }
0x3b: {  	[tilespmem:s13+$0x30] =	vst v1  }
0x3c: {  	[tilespmem:s13+$0x20] =	vst v1  }
0x3d: {  	[tilespmem:s13+$0x10] =	vst v1  }
0x3e: {  	[tilespmem:s13+$0x0] =	vst v1  }
0x3f: {  	[tilespmem:s13+$0xFFFFFFF0] =	vst v1  }
0x40: {  	s15 =	simm.s32 $0x0;
	[tilespmem:s13+$0xFFFFFFE0] =	vst v1  }
.LBB2_6:
0x41: {  	s15 =	sadd.s32 $0x8, s15;
	[tilespmem:s13+$0xFFFFFFD0] =	vst v1;
	s13 =	sadd.s32 $0x80, s13  }
0x42: {  	[tilespmem:s13+$0xFFFFFFC0] =	vst v1;
	p0 =	slt.u32 s15, $0x13F8  }
0x43: {  	[tilespmem:s13+$0x30] =	vst v1  }
.Ltmp2:
0x44: {  	[tilespmem:s13+$0x20] =	vst v1;
	(pc) =	sbr.rel @p0 .LBB2_6-.Ltmp2, $4  }
0x45: {  	[tilespmem:s13+$0x10] =	vst v1  }
0x46: {  	[tilespmem:s13+$0x0] =	vst v1  }
0x47: {  	[tilespmem:s13+$0xFFFFFFF0] =	vst v1  }
0x48: {  	s14 =	simm.s32 $0x14020;
	[tilespmem:s13+$0xFFFFFFE0] =	vst v1  }
0x49: {  	[tilespmem:s13+$0xFFFFFFD0] =	vst v1;
	s13 =	simm.s32 $0xFFFFFFFC  }
.LBB2_8:
0x4a: {  	v4 =	vld [tilespmem:s14+$0xFFFFFFE0];
	_ =	sdelay $0x4  }
0x4b: {  	v5 =	vadd.s32 $0xFFFFEC00, v4  }
0x4c: {  	vm0 =	vlt.u32 v5, $0x1400  }
0x4d: {  	v4 =	vadd.s32 v3, v4;
	_ =	sdelay $0x4  }
0x4e: {  	[tilespmem:v4+s2+$0x0] =	vst.idx.add.f32.msk vm0, v2  }
0x4f: {  	v4 =	vld [tilespmem:s14+$0xFFFFFFF0];
	_ =	sdelay $0x4  }
0x50: {  	v5 =	vadd.s32 $0xFFFFEC00, v4  }
0x51: {  	vm13 =	vlt.u32 v5, $0x1400  }
0x52: {  	v4 =	vadd.s32 v3, v4;
	_ =	sdelay $0x4  }
0x53: {  	[tilespmem:v4+s2+$0x0] =	vst.idx.add.f32.msk vm13, v2  }
0x54: {  	v4 =	vld [tilespmem:s14+$0x0];
	_ =	sdelay $0x4  }
0x55: {  	v5 =	vadd.s32 $0xFFFFEC00, v4  }
0x56: {  	vm14 =	vlt.u32 v5, $0x1400  }
0x57: {  	v4 =	vadd.s32 v3, v4;
	_ =	sdelay $0x4  }
0x58: {  	[tilespmem:v4+s2+$0x0] =	vst.idx.add.f32.msk vm14, v2  }
0x59: {  	v4 =	vld [tilespmem:s14+$0x10];
	_ =	sdelay $0x4  }
0x5a: {  	v5 =	vadd.s32 $0xFFFFEC00, v4  }
0x5b: {  	s13 =	sadd.s32 $0x4, s13;
	vm15 =	vlt.u32 v5, $0x1400  }
0x5c: {  	p0 =	slt.u32 s13, $0x26C;
	v4 =	vadd.s32 v3, v4  }
.Ltmp3:
0x5d: {  	_ = 	snop;
	(pc) =	sbr.rel @p0 .LBB2_8-.Ltmp3, $2  }
0x5e: {  	_ =	sdelay $0x2  }
0x5f: {  	s14 =	sadd.s32 $0x40, s14;
	[tilespmem:v4+s2+$0x0] =	vst.idx.add.f32.msk vm15, v2  }
0x60: {  	v4 =	vld [tilespmem:$0x16700];
	_ =	sdelay $0x4  }
0x61: {  	v5 =	vadd.s32 $0xFFFFEC00, v4  }
0x62: {  	vm0 =	vlt.u32 v5, $0x1400  }
0x63: {  	v4 =	vadd.s32 v3, v4;
	_ =	sdelay $0x4  }
0x64: {  	[tilespmem:v4+s2+$0x0] =	vst.idx.add.f32.msk vm0, v2  }
0x65: {  	[hbm4b:s5+s2] =	stream.linear.scatter [tilespmem:s2], [sflag:$0x1], $0x14000, $0x38;
	[tilespmem:$0x16780] =	vst v63  }
0x66: {  	_ =	swait.ge [sflag:s11], $0x14000  }
0x67: {  	[sflag:s11] =	ssyncset.done $0x0  }
0x68: {  	[sflag:s11] =	ssyncadd.s32 $0xFFFEC000  }
0x69: {  	[tilespmem:s10], [sflag:$0x1] =	stream.linear.gather [hbm4b:s6+s2], $0x2710, $0x38;
	[tilespmem:$0x16780] =	vst v63  }
0x6a: {  	_ =	swait.ge [sflag:s11], $0x2710  }
0x6b: {  	[sflag:s11] =	ssyncset.done $0x0  }
0x6c: {  	s13 =	simm.s32 $0x40;
	[sflag:s11] =	ssyncadd.s32 $0xFFFFD8F0  }
0x6d: {  	[tilespmem:s13+$0xFFFFFFC0] =	vst v1  }
0x6e: {  	[tilespmem:s13+$0x30] =	vst v1  }
0x6f: {  	[tilespmem:s13+$0x20] =	vst v1  }
0x70: {  	[tilespmem:s13+$0x10] =	vst v1  }
0x71: {  	[tilespmem:s13+$0x0] =	vst v1  }
0x72: {  	[tilespmem:s13+$0xFFFFFFF0] =	vst v1  }
0x73: {  	s15 =	simm.s32 $0x0;
	[tilespmem:s13+$0xFFFFFFE0] =	vst v1  }
.LBB2_10:
0x74: {  	s15 =	sadd.s32 $0x8, s15;
	[tilespmem:s13+$0xFFFFFFD0] =	vst v1;
	s13 =	sadd.s32 $0x80, s13  }
0x75: {  	[tilespmem:s13+$0xFFFFFFC0] =	vst v1;
	p0 =	slt.u32 s15, $0x13F8  }
0x76: {  	[tilespmem:s13+$0x30] =	vst v1  }
.Ltmp4:
0x77: {  	[tilespmem:s13+$0x20] =	vst v1;
	(pc) =	sbr.rel @p0 .LBB2_10-.Ltmp4, $4  }
0x78: {  	[tilespmem:s13+$0x10] =	vst v1  }
0x79: {  	[tilespmem:s13+$0x0] =	vst v1  }
0x7a: {  	[tilespmem:s13+$0xFFFFFFF0] =	vst v1  }
0x7b: {  	s14 =	simm.s32 $0x14020;
	[tilespmem:s13+$0xFFFFFFE0] =	vst v1  }
0x7c: {  	[tilespmem:s13+$0xFFFFFFD0] =	vst v1;
	s13 =	simm.s32 $0xFFFFFFFC  }
.LBB2_12:
0x7d: {  	v4 =	vld [tilespmem:s14+$0xFFFFFFE0];
	_ =	sdelay $0x4  }
0x7e: {  	vm0 =	vlt.u32 v4, $0x1400  }
0x7f: {  	v4 =	vadd.s32 v0, v4;
	_ =	sdelay $0x4  }
0x80: {  	[tilespmem:v4+s2+$0x0] =	vst.idx.add.f32.msk vm0, v2  }
0x81: {  	v4 =	vld [tilespmem:s14+$0xFFFFFFF0];
	_ =	sdelay $0x4  }
0x82: {  	vm13 =	vlt.u32 v4, $0x1400  }
0x83: {  	v4 =	vadd.s32 v0, v4;
	_ =	sdelay $0x4  }
0x84: {  	[tilespmem:v4+s2+$0x0] =	vst.idx.add.f32.msk vm13, v2  }
0x85: {  	v4 =	vld [tilespmem:s14+$0x0];
	_ =	sdelay $0x4  }
0x86: {  	vm14 =	vlt.u32 v4, $0x1400  }
0x87: {  	v4 =	vadd.s32 v0, v4;
	_ =	sdelay $0x4  }
0x88: {  	[tilespmem:v4+s2+$0x0] =	vst.idx.add.f32.msk vm14, v2  }
0x89: {  	v4 =	vld [tilespmem:s14+$0x10];
	_ =	sdelay $0x4  }
0x8a: {  	s13 =	sadd.s32 $0x4, s13;
	vm15 =	vlt.u32 v4, $0x1400  }
0x8b: {  	p0 =	slt.u32 s13, $0x26C;
	v4 =	vadd.s32 v0, v4  }
.Ltmp5:
0x8c: {  	_ = 	snop;
	(pc) =	sbr.rel @p0 .LBB2_12-.Ltmp5, $2  }
0x8d: {  	_ =	sdelay $0x2  }
0x8e: {  	s14 =	sadd.s32 $0x40, s14;
	[tilespmem:v4+s2+$0x0] =	vst.idx.add.f32.msk vm15, v2  }
0x8f: {  	v4 =	vld [tilespmem:$0x16700];
	_ =	sdelay $0x4  }
0x90: {  	vm0 =	vlt.u32 v4, $0x1400  }
0x91: {  	v4 =	vadd.s32 v0, v4;
	_ =	sdelay $0x4  }
0x92: {  	[tilespmem:v4+s2+$0x0] =	vst.idx.add.f32.msk vm0, v2  }
0x93: {  	[hbm4b:s7+s2] =	stream.linear.scatter [tilespmem:s2], [sflag:$0x1], $0x14000, $0x38;
	[tilespmem:$0x16780] =	vst v63  }
0x94: {  	_ =	swait.ge [sflag:s11], $0x14000  }
0x95: {  	[sflag:s11] =	ssyncset.done $0x0  }
0x96: {  	s13 =	simm.s32 $0x40;
	[sflag:s11] =	ssyncadd.s32 $0xFFFEC000  }
0x97: {  	[tilespmem:s13+$0xFFFFFFC0] =	vst v1  }
0x98: {  	[tilespmem:s13+$0x30] =	vst v1  }
0x99: {  	[tilespmem:s13+$0x20] =	vst v1  }
0x9a: {  	[tilespmem:s13+$0x10] =	vst v1  }
0x9b: {  	[tilespmem:s13+$0x0] =	vst v1  }
0x9c: {  	[tilespmem:s13+$0xFFFFFFF0] =	vst v1  }
0x9d: {  	s15 =	simm.s32 $0x0;
	[tilespmem:s13+$0xFFFFFFE0] =	vst v1  }
.LBB2_14:
0x9e: {  	s15 =	sadd.s32 $0x8, s15;
	[tilespmem:s13+$0xFFFFFFD0] =	vst v1;
	s13 =	sadd.s32 $0x80, s13  }
0x9f: {  	[tilespmem:s13+$0xFFFFFFC0] =	vst v1;
	p0 =	slt.u32 s15, $0x13F8  }
0xa0: {  	[tilespmem:s13+$0x30] =	vst v1  }
.Ltmp6:
0xa1: {  	[tilespmem:s13+$0x20] =	vst v1;
	(pc) =	sbr.rel @p0 .LBB2_14-.Ltmp6, $4  }
0xa2: {  	[tilespmem:s13+$0x10] =	vst v1  }
0xa3: {  	[tilespmem:s13+$0x0] =	vst v1  }
0xa4: {  	[tilespmem:s13+$0xFFFFFFF0] =	vst v1  }
0xa5: {  	s14 =	simm.s32 $0x14020;
	[tilespmem:s13+$0xFFFFFFE0] =	vst v1  }
0xa6: {  	[tilespmem:s13+$0xFFFFFFD0] =	vst v1;
	s13 =	simm.s32 $0xFFFFFFFC  }
.LBB2_16:
0xa7: {  	v4 =	vld [tilespmem:s14+$0xFFFFFFE0];
	_ =	sdelay $0x4  }
0xa8: {  	v5 =	vadd.s32 $0xFFFFEC00, v4  }
0xa9: {  	vm0 =	vlt.u32 v5, $0x1400  }
0xaa: {  	v4 =	vadd.s32 v3, v4;
	_ =	sdelay $0x4  }
0xab: {  	[tilespmem:v4+s2+$0x0] =	vst.idx.add.f32.msk vm0, v2  }
0xac: {  	v4 =	vld [tilespmem:s14+$0xFFFFFFF0];
	_ =	sdelay $0x4  }
0xad: {  	v5 =	vadd.s32 $0xFFFFEC00, v4  }
0xae: {  	vm13 =	vlt.u32 v5, $0x1400  }
0xaf: {  	v4 =	vadd.s32 v3, v4;
	_ =	sdelay $0x4  }
0xb0: {  	[tilespmem:v4+s2+$0x0] =	vst.idx.add.f32.msk vm13, v2  }
0xb1: {  	v4 =	vld [tilespmem:s14+$0x0];
	_ =	sdelay $0x4  }
0xb2: {  	v5 =	vadd.s32 $0xFFFFEC00, v4  }
0xb3: {  	vm14 =	vlt.u32 v5, $0x1400  }
0xb4: {  	v4 =	vadd.s32 v3, v4;
	_ =	sdelay $0x4  }
0xb5: {  	[tilespmem:v4+s2+$0x0] =	vst.idx.add.f32.msk vm14, v2  }
0xb6: {  	v4 =	vld [tilespmem:s14+$0x10];
	_ =	sdelay $0x4  }
0xb7: {  	v5 =	vadd.s32 $0xFFFFEC00, v4  }
0xb8: {  	s13 =	sadd.s32 $0x4, s13;
	vm15 =	vlt.u32 v5, $0x1400  }
0xb9: {  	p0 =	slt.u32 s13, $0x26C;
	v4 =	vadd.s32 v3, v4  }
.Ltmp7:
0xba: {  	_ = 	snop;
	(pc) =	sbr.rel @p0 .LBB2_16-.Ltmp7, $2  }
0xbb: {  	_ =	sdelay $0x2  }
0xbc: {  	s14 =	sadd.s32 $0x40, s14;
	[tilespmem:v4+s2+$0x0] =	vst.idx.add.f32.msk vm15, v2  }
0xbd: {  	v4 =	vld [tilespmem:$0x16700];
	_ =	sdelay $0x4  }
0xbe: {  	v5 =	vadd.s32 $0xFFFFEC00, v4  }
0xbf: {  	vm0 =	vlt.u32 v5, $0x1400  }
0xc0: {  	v4 =	vadd.s32 v3, v4;
	_ =	sdelay $0x2  }
0xc1: {  	s12 =	sadd.s32 $0x1, s12  }
0xc2: {  	p0 =	sne.s32 s12, s9  }
.Ltmp8:
0xc3: {  	[tilespmem:v4+s2+$0x0] =	vst.idx.add.f32.msk vm0, v2;
	(pc) =	sbr.rel @p0 .LBB2_1-.Ltmp8, $4  }
0xc4: {  	[hbm4b:s8+s2] =	stream.linear.scatter [tilespmem:s2], [sflag:$0x1], $0x14000, $0x38;
	[tilespmem:$0x16780] =	vst v63  }
0xc5: {  	_ =	swait.ge [sflag:s11], $0x14000  }
0xc6: {  	[sflag:s11] =	ssyncset.done $0x0  }
0xc7: {  	[sflag:s11] =	ssyncadd.s32 $0xFFFEC000  }
0xc8: {  	_ =	sfence.sel $0x180000  }
0xc9: {  	[bflag:$0x0] =	sbarrier.arrive $0xFFFF  }
0xca: {  	p0 =	sne.s32 s1, $0x0;
	_ =	strace $0x90000047  }
0xcb: {  	s0 =	sadd.s32 @!p0 $0x100000, s0;
	[bflag:$0x2] =	sbarrier.arrive $0xFFFF  }
0xcc: {  	[sflag:s0] =	ssyncadd.tile.s32 @!p0 $0x1;
	_ =	shalt  }
.Lfunc_end2:
_tile_overlayer_lowered:
.L_overlay_start_2:
0xcd: {  	(tag) =	ssettag $0x2  }
0xce: {  	s0 =	rddreg [dreg:$0x0];
	s2 =	stileid.u32  }
0xcf: {  	s1 =	rddreg [dreg:$0x1];
	p0 =	sne.s32 s2, $0x0  }
0xd0: {  	s3 =	rddreg [dreg:$0x2];
	[bflag:$0x3] =	sbarrier.arrive $0xFFFF;
	s2 =	simm.s32 @!p0 $0x1C01  }
0xd1: {  	[timem:s3], [sflag:s2] =	dma.local @!p0 [hbm:s0], s1  }
0xd2: {  	s0 =	simm.s32 @!p0 $0x1  }
0xd3: {  	_ =	swait.ge @!p0 [sflag:s0], s1  }
0xd4: {  	s1 =	ssub.s32 @!p0 $0x0, s1;
	[sflag:s0] =	ssyncset.done @!p0 $0x0  }
0xd5: {  	[sflag:s0] =	ssyncadd.s32 @!p0 s1  }
0xd6: {  	[bflag:$0x3] =	sbarrier.arrive $0xFFFF  }
0xd7: {  	_ =	shalt  }

</sc_bundles>
